<compile_context>
chip_gen: v7x
topology: tpu7x:2x2x1
jax: 0.10.2.dev20260603
libtpu: 0.0.44.dev20260713+nightly
codegen_flags: <defaults>
</compile_context>

<pallas_src>
import functools

import jax
import jax.numpy as jnp
from jax import lax
from jax.experimental import pallas as pl
from jax.experimental.pallas import tpu as pltpu
from jax.experimental.pallas import tpu_sc as plsc

B, L, V, D = 4096, 50, 1000, 32
NT = 4
P = B * L
NW = 32
PPT = P // NW
GCH = 128
NCH = PPT // GCH
NG = NCH * NT
NB = 8
NITER = NG // NB

_mesh = plsc.VectorSubcoreMesh(core_axis_name="c", subcore_axis_name="s")


@functools.partial(
    pl.kernel,
    mesh=_mesh,
    out_type=jax.ShapeDtypeStruct((P, NT * D), jnp.float32),
    scratch_types=(
        [pltpu.VMEM((PPT,), jnp.int32) for _ in range(NT)]
        + [pltpu.VMEM((NB, GCH, D), jnp.float32),
           pltpu.VMEM_SHARED((NT, V, D), jnp.float32)]
        + [pltpu.SemaphoreType.DMA for _ in range(2 * NB)]
    ),
    compiler_params=pltpu.CompilerParams(use_tc_tiling_on_sc=False),
)
def _seq_gather(tab4_hbm, idx4_hbm, out_hbm,
                s0, s1, s2, s3, rows, shared_tab, *sems):
    gsem = sems[:NB]
    osem = sems[NB:]
    idx_bufs = (s0, s1, s2, s3)

    wid = lax.axis_index("s") * 2 + lax.axis_index("c")
    pos_base = wid * PPT

    @pl.when(lax.axis_index("s") == 0)
    def _():
        pltpu.sync_copy(tab4_hbm, shared_tab)

    for t in range(NT):
        pltpu.async_copy(idx4_hbm.at[t].at[pl.ds(pos_base, PPT)],
                         idx_bufs[t], gsem[t])
    plsc.subcore_barrier()
    for t in range(NT):
        pltpu.make_async_copy(idx4_hbm.at[t].at[pl.ds(pos_base, PPT)],
                              idx_bufs[t], gsem[t]).wait()

    def _gather(g_dyn, b, t):
        idx = idx_bufs[t].at[pl.ds((g_dyn // NT) * GCH, GCH)]
        return pltpu.make_async_copy(shared_tab.at[t].at[idx], rows.at[b],
                                     gsem[b])

    def _writeout(g_dyn, b, t):
        dst = out_hbm.at[pl.ds(pos_base + (g_dyn // NT) * GCH, GCH),
                         pl.ds(t * D, D)]
        return pltpu.make_async_copy(rows.at[b], dst, osem[b])

    for b in range(NB):
        _gather(b, b, b % NT).start()

    def _step(i, carry):
        g0 = i * NB
        for b in range(NB):
            t = b % NT
            g = g0 + b
            _gather(g, b, t).wait()
            _writeout(g, b, t).start()

            @pl.when(i < NITER - 1)
            def _():
                _writeout(g, b, t).wait()
                _gather(g + NB, b, t).start()
        return carry

    lax.fori_loop(0, NITER, _step, 0)

    for b in range(NB):
        _writeout(NG - NB + b, b, b % NT).wait()


def _ctx_body(lr_ref, mc_ref, nc_ref, pt_ref, out_ref):
    col = lax.broadcasted_iota(jnp.int32, (B, 35), 1)
    onehot = ((col - 3) == pt_ref[...]).astype(jnp.int32)
    vi = jnp.where(col == 0, lr_ref[...],
                   jnp.where(col == 1, mc_ref[...],
                             jnp.where(col == 2, nc_ref[...], onehot)))
    out_ref[...] = vi.astype(jnp.float32)


def kernel(bwd_vectors, fwd_vectors, last_bwd_vectors, last_fwd_vectors,
           last_rule, move_counter, node_count, problem_type,
           emb_bwd, emb_fwd, emb_last_bwd, emb_last_fwd):
    idx4 = jnp.stack([bwd_vectors.T.reshape(-1), fwd_vectors.T.reshape(-1),
                      last_bwd_vectors.T.reshape(-1),
                      last_fwd_vectors.T.reshape(-1)])
    tab4 = jnp.stack([emb_bwd, emb_fwd, emb_last_bwd, emb_last_fwd])
    seq_flat = _seq_gather(tab4, idx4)
    seq = seq_flat.reshape(L, B, NT * D).transpose(1, 0, 2)

    context = pl.pallas_call(
        _ctx_body,
        out_shape=jax.ShapeDtypeStruct((B, 35), jnp.float32),
    )(last_rule, move_counter, node_count, problem_type)

    sequence_length = jnp.full((B,), L, dtype=jnp.int32)
    return (context, seq, sequence_length)

# --- scband reference (transcript-rebuilt; emitter-appended) ---
"""Pipeline reference for scband-math-embedding-82016695485261 (READ-ONLY COPY).

The authoritative reference and input builder live on the scoring server;
editing this copy changes nothing except your own understanding.
"""

import jax, jax.numpy as jnp
import numpy as np

B, L, V, D = 4096, 50, 1000, 32

def setup_inputs(seed: int = 0) -> dict:
    key = jax.random.key(seed)
    ks = jax.random.split(key, 12)
    bwd_vectors = jax.random.randint(ks[0], (B, L), 0, V)
    fwd_vectors = jax.random.randint(ks[1], (B, L), 0, V)
    last_bwd_vectors = jax.random.randint(ks[2], (B, L), 0, V)
    last_fwd_vectors = jax.random.randint(ks[3], (B, L), 0, V)
    last_rule = jax.random.randint(ks[4], (B, 1), 0, 64)
    move_counter = jax.random.randint(ks[5], (B, 1), 0, 256)
    node_count = jax.random.randint(ks[6], (B, 1), 0, 128)
    problem_type = jax.random.randint(ks[7], (B, 1), 0, 32)
    emb_bwd = jax.random.normal(ks[8], (V, D), dtype=jnp.float32) * 0.02
    emb_fwd = jax.random.normal(ks[9], (V, D), dtype=jnp.float32) * 0.02
    emb_last_bwd = jax.random.normal(ks[10], (V, D), dtype=jnp.float32) * 0.02
    emb_last_fwd = jax.random.normal(ks[11], (V, D), dtype=jnp.float32) * 0.02
    return {
        'bwd_vectors': bwd_vectors, 'fwd_vectors': fwd_vectors,
        'last_bwd_vectors': last_bwd_vectors, 'last_fwd_vectors': last_fwd_vectors,
        'last_rule': last_rule, 'move_counter': move_counter,
        'node_count': node_count, 'problem_type': problem_type,
        'emb_bwd': emb_bwd, 'emb_fwd': emb_fwd,
        'emb_last_bwd': emb_last_bwd, 'emb_last_fwd': emb_last_fwd,
    }

def reference(bwd_vectors, fwd_vectors, last_bwd_vectors, last_fwd_vectors,
              last_rule, move_counter, node_count, problem_type,
              emb_bwd, emb_fwd, emb_last_bwd, emb_last_fwd):
    # SequenceFeatures concatenates embedded sequence columns in alphabetical
    # key order: bwd_vectors, fwd_vectors, last_bwd_vectors, last_fwd_vectors
    seq = jnp.concatenate([
        jnp.take(emb_bwd, bwd_vectors, axis=0),
        jnp.take(emb_fwd, fwd_vectors, axis=0),
        jnp.take(emb_last_bwd, last_bwd_vectors, axis=0),
        jnp.take(emb_last_fwd, last_fwd_vectors, axis=0),
    ], axis=-1)  # [B, L, 4*D]
    # dense int inputs -> every sequence is full length
    sequence_length = jnp.full((bwd_vectors.shape[0],), bwd_vectors.shape[1], dtype=jnp.int32)
    # DenseFeatures concatenates in alphabetical key order:
    # last_rule (numeric), move_counter (numeric), node_count (numeric), problem_type (indicator/one-hot 32)
    one_hot_pt = jax.nn.one_hot(problem_type[:, 0], 32, dtype=jnp.float32)
    context = jnp.concatenate([
        last_rule.astype(jnp.float32),
        move_counter.astype(jnp.float32),
        node_count.astype(jnp.float32),
        one_hot_pt,
    ], axis=-1)  # [B, 35]
    return (context, seq, sequence_length)

if __name__ == "__main__":
    import jax
    _d = setup_inputs()
    print(jax.jit(kernel)(*tuple(_d.values())))

</pallas_src>

<mosaic_0001>
#map = affine_map<(d0, d1) -> (0, 0, 0)>
#map1 = affine_map<(d0, d1) -> (0, 0)>
module attributes {stable_mosaic.version = 14 : i64} {
  func.func @_seq_gather(%arg0: i32, %arg1: i32, %arg2: memref<4x1000x32xf32, #tpu.memory_space<hbm>>, %arg3: memref<4x204800xi32, #tpu.memory_space<hbm>>, %arg4: memref<204800x128xf32, #tpu.memory_space<hbm>>, %arg5: memref<6400xi32, #tpu.memory_space<vmem>>, %arg6: memref<6400xi32, #tpu.memory_space<vmem>>, %arg7: memref<6400xi32, #tpu.memory_space<vmem>>, %arg8: memref<6400xi32, #tpu.memory_space<vmem>>, %arg9: memref<8x128x32xf32, #tpu.memory_space<vmem>>, %arg10: memref<4x1000x32xf32, #tpu.memory_space<vmem_shared>>, %arg11: memref<!tpu.dma_semaphore, #tpu.memory_space<semaphore_mem>>, %arg12: memref<!tpu.dma_semaphore, #tpu.memory_space<semaphore_mem>>, %arg13: memref<!tpu.dma_semaphore, #tpu.memory_space<semaphore_mem>>, %arg14: memref<!tpu.dma_semaphore, #tpu.memory_space<semaphore_mem>>, %arg15: memref<!tpu.dma_semaphore, #tpu.memory_space<semaphore_mem>>, %arg16: memref<!tpu.dma_semaphore, #tpu.memory_space<semaphore_mem>>, %arg17: memref<!tpu.dma_semaphore, #tpu.memory_space<semaphore_mem>>, %arg18: memref<!tpu.dma_semaphore, #tpu.memory_space<semaphore_mem>>, %arg19: memref<!tpu.dma_semaphore, #tpu.memory_space<semaphore_mem>>, %arg20: memref<!tpu.dma_semaphore, #tpu.memory_space<semaphore_mem>>, %arg21: memref<!tpu.dma_semaphore, #tpu.memory_space<semaphore_mem>>, %arg22: memref<!tpu.dma_semaphore, #tpu.memory_space<semaphore_mem>>, %arg23: memref<!tpu.dma_semaphore, #tpu.memory_space<semaphore_mem>>, %arg24: memref<!tpu.dma_semaphore, #tpu.memory_space<semaphore_mem>>, %arg25: memref<!tpu.dma_semaphore, #tpu.memory_space<semaphore_mem>>, %arg26: memref<!tpu.dma_semaphore, #tpu.memory_space<semaphore_mem>>) attributes {dimension_semantics = [#tpu.dimension_semantics<core_parallel>, #tpu.dimension_semantics<subcore_parallel>], iteration_bounds = array<i64: 2, 16>, scalar_prefetch = 0 : i64, scratch_operands = 22 : i64, tpu.core_type = #tpu.core_type<sc_vector_subcore>, window_params = [{transform_indices = #map}, {transform_indices = #map1}, {transform_indices = #map1}]} {
    %mul3A = arith.constant 2 : i32
    %mul3A_0 = arith.muli %arg1, %mul3A : i32
    %add3A = arith.addi %mul3A_0, %arg0 : i32
    %mul3A_1 = arith.constant 6400 : i32
    %mul3A_2 = arith.muli %add3A, %mul3A_1 : i32
    %eq3A = arith.constant 0 : i32
    %eq3A_3 = arith.cmpi eq, %arg1, %eq3A : i32
    %convert_element_type3A = arith.extui %eq3A_3 : i1 to i32
    %cond3A = arith.constant 0 : i32
    %cond3A_4 = arith.cmpi ne, %convert_element_type3A, %cond3A : i32
    scf.if %cond3A_4 {
      "tpu.region"() ({
        %run_scoped3A = tpu.sem_alloc : memref<!tpu.dma_semaphore, #tpu.memory_space<semaphore_mem>>
        tpu.enqueue_dma source(%arg2 : memref<4x1000x32xf32, #tpu.memory_space<hbm>>) target(%arg10 : memref<4x1000x32xf32, #tpu.memory_space<vmem_shared>>) target_semaphore(%run_scoped3A : memref<!tpu.dma_semaphore, #tpu.memory_space<semaphore_mem>>)
        tpu.wait_dma2 semaphore(%run_scoped3A : memref<!tpu.dma_semaphore, #tpu.memory_space<semaphore_mem>>) src(%arg2 : memref<4x1000x32xf32, #tpu.memory_space<hbm>>) dst(%arg10 : memref<4x1000x32xf32, #tpu.memory_space<vmem_shared>>)
        tpu.yield
      }) : () -> ()
    } else {
    }
    %dma_start3A = arith.constant 0 : i32
    %dma_start3A_5 = arith.constant 0 : i32
    %dma_start3A_6 = tpu.memref_slice %arg3[%dma_start3A, %dma_start3A_5] : memref<4x204800xi32, #tpu.memory_space<hbm>> -> memref<1x204800xi32, #tpu.memory_space<hbm>>
    %dma_start3A_7 = tpu.memref_squeeze %dma_start3A_6 : memref<1x204800xi32, #tpu.memory_space<hbm>> -> memref<204800xi32, #tpu.memory_space<hbm>>
    %dma_start3A_8 = tpu.memref_slice %dma_start3A_7[%mul3A_2] : memref<204800xi32, #tpu.memory_space<hbm>> -> memref<6400xi32, #tpu.memory_space<hbm>>
    %dma_start3A_9 = arith.constant 0 : i32
    %dma_start3A_10 = tpu.memref_slice %arg3[%dma_start3A, %dma_start3A_9] : memref<4x204800xi32, #tpu.memory_space<hbm>> -> memref<1x204800xi32, #tpu.memory_space<hbm>>
    %dma_start3A_11 = tpu.memref_squeeze %dma_start3A_10 : memref<1x204800xi32, #tpu.memory_space<hbm>> -> memref<204800xi32, #tpu.memory_space<hbm>>
    %dma_start3A_12 = tpu.memref_slice %dma_start3A_11[%mul3A_2] : memref<204800xi32, #tpu.memory_space<hbm>> -> memref<6400xi32, #tpu.memory_space<hbm>>
    tpu.enqueue_dma source(%dma_start3A_12 : memref<6400xi32, #tpu.memory_space<hbm>>) target(%arg5 : memref<6400xi32, #tpu.memory_space<vmem>>) target_semaphore(%arg11 : memref<!tpu.dma_semaphore, #tpu.memory_space<semaphore_mem>>)
    %dma_start3A_13 = arith.constant 1 : i32
    %dma_start3A_14 = arith.constant 0 : i32
    %dma_start3A_15 = tpu.memref_slice %arg3[%dma_start3A_13, %dma_start3A_14] : memref<4x204800xi32, #tpu.memory_space<hbm>> -> memref<1x204800xi32, #tpu.memory_space<hbm>>
    %dma_start3A_16 = tpu.memref_squeeze %dma_start3A_15 : memref<1x204800xi32, #tpu.memory_space<hbm>> -> memref<204800xi32, #tpu.memory_space<hbm>>
    %dma_start3A_17 = tpu.memref_slice %dma_start3A_16[%mul3A_2] : memref<204800xi32, #tpu.memory_space<hbm>> -> memref<6400xi32, #tpu.memory_space<hbm>>
    %dma_start3A_18 = arith.constant 0 : i32
    %dma_start3A_19 = tpu.memref_slice %arg3[%dma_start3A_13, %dma_start3A_18] : memref<4x204800xi32, #tpu.memory_space<hbm>> -> memref<1x204800xi32, #tpu.memory_space<hbm>>
    %dma_start3A_20 = tpu.memref_squeeze %dma_start3A_19 : memref<1x204800xi32, #tpu.memory_space<hbm>> -> memref<204800xi32, #tpu.memory_space<hbm>>
    %dma_start3A_21 = tpu.memref_slice %dma_start3A_20[%mul3A_2] : memref<204800xi32, #tpu.memory_space<hbm>> -> memref<6400xi32, #tpu.memory_space<hbm>>
    tpu.enqueue_dma source(%dma_start3A_21 : memref<6400xi32, #tpu.memory_space<hbm>>) target(%arg6 : memref<6400xi32, #tpu.memory_space<vmem>>) target_semaphore(%arg12 : memref<!tpu.dma_semaphore, #tpu.memory_space<semaphore_mem>>)
    %dma_start3A_22 = arith.constant 2 : i32
    %dma_start3A_23 = arith.constant 0 : i32
    %dma_start3A_24 = tpu.memref_slice %arg3[%dma_start3A_22, %dma_start3A_23] : memref<4x204800xi32, #tpu.memory_space<hbm>> -> memref<1x204800xi32, #tpu.memory_space<hbm>>
    %dma_start3A_25 = tpu.memref_squeeze %dma_start3A_24 : memref<1x204800xi32, #tpu.memory_space<hbm>> -> memref<204800xi32, #tpu.memory_space<hbm>>
    %dma_start3A_26 = tpu.memref_slice %dma_start3A_25[%mul3A_2] : memref<204800xi32, #tpu.memory_space<hbm>> -> memref<6400xi32, #tpu.memory_space<hbm>>
    %dma_start3A_27 = arith.constant 0 : i32
    %dma_start3A_28 = tpu.memref_slice %arg3[%dma_start3A_22, %dma_start3A_27] : memref<4x204800xi32, #tpu.memory_space<hbm>> -> memref<1x204800xi32, #tpu.memory_space<hbm>>
    %dma_start3A_29 = tpu.memref_squeeze %dma_start3A_28 : memref<1x204800xi32, #tpu.memory_space<hbm>> -> memref<204800xi32, #tpu.memory_space<hbm>>
    %dma_start3A_30 = tpu.memref_slice %dma_start3A_29[%mul3A_2] : memref<204800xi32, #tpu.memory_space<hbm>> -> memref<6400xi32, #tpu.memory_space<hbm>>
    tpu.enqueue_dma source(%dma_start3A_30 : memref<6400xi32, #tpu.memory_space<hbm>>) target(%arg7 : memref<6400xi32, #tpu.memory_space<vmem>>) target_semaphore(%arg13 : memref<!tpu.dma_semaphore, #tpu.memory_space<semaphore_mem>>)
    %dma_start3A_31 = arith.constant 3 : i32
    %dma_start3A_32 = arith.constant 0 : i32
    %dma_start3A_33 = tpu.memref_slice %arg3[%dma_start3A_31, %dma_start3A_32] : memref<4x204800xi32, #tpu.memory_space<hbm>> -> memref<1x204800xi32, #tpu.memory_space<hbm>>
    %dma_start3A_34 = tpu.memref_squeeze %dma_start3A_33 : memref<1x204800xi32, #tpu.memory_space<hbm>> -> memref<204800xi32, #tpu.memory_space<hbm>>
    %dma_start3A_35 = tpu.memref_slice %dma_start3A_34[%mul3A_2] : memref<204800xi32, #tpu.memory_space<hbm>> -> memref<6400xi32, #tpu.memory_space<hbm>>
    %dma_start3A_36 = arith.constant 0 : i32
    %dma_start3A_37 = tpu.memref_slice %arg3[%dma_start3A_31, %dma_start3A_36] : memref<4x204800xi32, #tpu.memory_space<hbm>> -> memref<1x204800xi32, #tpu.memory_space<hbm>>
    %dma_start3A_38 = tpu.memref_squeeze %dma_start3A_37 : memref<1x204800xi32, #tpu.memory_space<hbm>> -> memref<204800xi32, #tpu.memory_space<hbm>>
    %dma_start3A_39 = tpu.memref_slice %dma_start3A_38[%mul3A_2] : memref<204800xi32, #tpu.memory_space<hbm>> -> memref<6400xi32, #tpu.memory_space<hbm>>
    tpu.enqueue_dma source(%dma_start3A_39 : memref<6400xi32, #tpu.memory_space<hbm>>) target(%arg8 : memref<6400xi32, #tpu.memory_space<vmem>>) target_semaphore(%arg14 : memref<!tpu.dma_semaphore, #tpu.memory_space<semaphore_mem>>)
    %barrier3A = arith.constant 0 : index
    tpu.barrier barrier_id(%barrier3A)
    %dma_wait3A = arith.constant 0 : i32
    %dma_wait3A_40 = arith.constant 0 : i32
    %dma_wait3A_41 = tpu.memref_slice %arg3[%dma_wait3A, %dma_wait3A_40] : memref<4x204800xi32, #tpu.memory_space<hbm>> -> memref<1x204800xi32, #tpu.memory_space<hbm>>
    %dma_wait3A_42 = tpu.memref_squeeze %dma_wait3A_41 : memref<1x204800xi32, #tpu.memory_space<hbm>> -> memref<204800xi32, #tpu.memory_space<hbm>>
    %dma_wait3A_43 = tpu.memref_slice %dma_wait3A_42[%mul3A_2] : memref<204800xi32, #tpu.memory_space<hbm>> -> memref<6400xi32, #tpu.memory_space<hbm>>
    %dma_wait3A_44 = arith.constant 0 : i32
    %dma_wait3A_45 = tpu.memref_slice %arg3[%dma_wait3A, %dma_wait3A_44] : memref<4x204800xi32, #tpu.memory_space<hbm>> -> memref<1x204800xi32, #tpu.memory_space<hbm>>
    %dma_wait3A_46 = tpu.memref_squeeze %dma_wait3A_45 : memref<1x204800xi32, #tpu.memory_space<hbm>> -> memref<204800xi32, #tpu.memory_space<hbm>>
    %dma_wait3A_47 = tpu.memref_slice %dma_wait3A_46[%mul3A_2] : memref<204800xi32, #tpu.memory_space<hbm>> -> memref<6400xi32, #tpu.memory_space<hbm>>
    tpu.wait_dma2 semaphore(%arg11 : memref<!tpu.dma_semaphore, #tpu.memory_space<semaphore_mem>>) src(%dma_wait3A_47 : memref<6400xi32, #tpu.memory_space<hbm>>) dst(%arg5 : memref<6400xi32, #tpu.memory_space<vmem>>)
    %dma_wait3A_48 = arith.constant 1 : i32
    %dma_wait3A_49 = arith.constant 0 : i32
    %dma_wait3A_50 = tpu.memref_slice %arg3[%dma_wait3A_48, %dma_wait3A_49] : memref<4x204800xi32, #tpu.memory_space<hbm>> -> memref<1x204800xi32, #tpu.memory_space<hbm>>
    %dma_wait3A_51 = tpu.memref_squeeze %dma_wait3A_50 : memref<1x204800xi32, #tpu.memory_space<hbm>> -> memref<204800xi32, #tpu.memory_space<hbm>>
    %dma_wait3A_52 = tpu.memref_slice %dma_wait3A_51[%mul3A_2] : memref<204800xi32, #tpu.memory_space<hbm>> -> memref<6400xi32, #tpu.memory_space<hbm>>
    %dma_wait3A_53 = arith.constant 0 : i32
    %dma_wait3A_54 = tpu.memref_slice %arg3[%dma_wait3A_48, %dma_wait3A_53] : memref<4x204800xi32, #tpu.memory_space<hbm>> -> memref<1x204800xi32, #tpu.memory_space<hbm>>
    %dma_wait3A_55 = tpu.memref_squeeze %dma_wait3A_54 : memref<1x204800xi32, #tpu.memory_space<hbm>> -> memref<204800xi32, #tpu.memory_space<hbm>>
    %dma_wait3A_56 = tpu.memref_slice %dma_wait3A_55[%mul3A_2] : memref<204800xi32, #tpu.memory_space<hbm>> -> memref<6400xi32, #tpu.memory_space<hbm>>
    tpu.wait_dma2 semaphore(%arg12 : memref<!tpu.dma_semaphore, #tpu.memory_space<semaphore_mem>>) src(%dma_wait3A_56 : memref<6400xi32, #tpu.memory_space<hbm>>) dst(%arg6 : memref<6400xi32, #tpu.memory_space<vmem>>)
    %dma_wait3A_57 = arith.constant 2 : i32
    %dma_wait3A_58 = arith.constant 0 : i32
    %dma_wait3A_59 = tpu.memref_slice %arg3[%dma_wait3A_57, %dma_wait3A_58] : memref<4x204800xi32, #tpu.memory_space<hbm>> -> memref<1x204800xi32, #tpu.memory_space<hbm>>
    %dma_wait3A_60 = tpu.memref_squeeze %dma_wait3A_59 : memref<1x204800xi32, #tpu.memory_space<hbm>> -> memref<204800xi32, #tpu.memory_space<hbm>>
    %dma_wait3A_61 = tpu.memref_slice %dma_wait3A_60[%mul3A_2] : memref<204800xi32, #tpu.memory_space<hbm>> -> memref<6400xi32, #tpu.memory_space<hbm>>
    %dma_wait3A_62 = arith.constant 0 : i32
    %dma_wait3A_63 = tpu.memref_slice %arg3[%dma_wait3A_57, %dma_wait3A_62] : memref<4x204800xi32, #tpu.memory_space<hbm>> -> memref<1x204800xi32, #tpu.memory_space<hbm>>
    %dma_wait3A_64 = tpu.memref_squeeze %dma_wait3A_63 : memref<1x204800xi32, #tpu.memory_space<hbm>> -> memref<204800xi32, #tpu.memory_space<hbm>>
    %dma_wait3A_65 = tpu.memref_slice %dma_wait3A_64[%mul3A_2] : memref<204800xi32, #tpu.memory_space<hbm>> -> memref<6400xi32, #tpu.memory_space<hbm>>
    tpu.wait_dma2 semaphore(%arg13 : memref<!tpu.dma_semaphore, #tpu.memory_space<semaphore_mem>>) src(%dma_wait3A_65 : memref<6400xi32, #tpu.memory_space<hbm>>) dst(%arg7 : memref<6400xi32, #tpu.memory_space<vmem>>)
    %dma_wait3A_66 = arith.constant 3 : i32
    %dma_wait3A_67 = arith.constant 0 : i32
    %dma_wait3A_68 = tpu.memref_slice %arg3[%dma_wait3A_66, %dma_wait3A_67] : memref<4x204800xi32, #tpu.memory_space<hbm>> -> memref<1x204800xi32, #tpu.memory_space<hbm>>
    %dma_wait3A_69 = tpu.memref_squeeze %dma_wait3A_68 : memref<1x204800xi32, #tpu.memory_space<hbm>> -> memref<204800xi32, #tpu.memory_space<hbm>>
    %dma_wait3A_70 = tpu.memref_slice %dma_wait3A_69[%mul3A_2] : memref<204800xi32, #tpu.memory_space<hbm>> -> memref<6400xi32, #tpu.memory_space<hbm>>
    %dma_wait3A_71 = arith.constant 0 : i32
    %dma_wait3A_72 = tpu.memref_slice %arg3[%dma_wait3A_66, %dma_wait3A_71] : memref<4x204800xi32, #tpu.memory_space<hbm>> -> memref<1x204800xi32, #tpu.memory_space<hbm>>
    %dma_wait3A_73 = tpu.memref_squeeze %dma_wait3A_72 : memref<1x204800xi32, #tpu.memory_space<hbm>> -> memref<204800xi32, #tpu.memory_space<hbm>>
    %dma_wait3A_74 = tpu.memref_slice %dma_wait3A_73[%mul3A_2] : memref<204800xi32, #tpu.memory_space<hbm>> -> memref<6400xi32, #tpu.memory_space<hbm>>
    tpu.wait_dma2 semaphore(%arg14 : memref<!tpu.dma_semaphore, #tpu.memory_space<semaphore_mem>>) src(%dma_wait3A_74 : memref<6400xi32, #tpu.memory_space<hbm>>) dst(%arg8 : memref<6400xi32, #tpu.memory_space<vmem>>)
    %dma_start3A_75 = arith.constant 0 : i32
    %dma_start3A_76 = arith.constant 0 : i32
    %dma_start3A_77 = arith.constant 0 : i32
    %dma_start3A_78 = arith.constant 0 : i32
    %dma_start3A_79 = tpu.memref_slice %arg9[%dma_start3A_76, %dma_start3A_77, %dma_start3A_78] : memref<8x128x32xf32, #tpu.memory_space<vmem>> -> memref<1x128x32xf32, #tpu.memory_space<vmem>>
    %dma_start3A_80 = tpu.memref_squeeze %dma_start3A_79 : memref<1x128x32xf32, #tpu.memory_space<vmem>> -> memref<128x32xf32, #tpu.memory_space<vmem>>
    %dma_start3A_81 = arith.constant 0 : i32
    %dma_start3A_82 = tpu.memref_slice %arg5[%dma_start3A_81] : memref<6400xi32, #tpu.memory_space<vmem>> -> memref<128xi32, #tpu.memory_space<vmem>>
    %dma_start3A_83 = arith.constant 0 : i32
    %dma_start3A_84 = arith.constant 0 : i32
    %dma_start3A_85 = tpu.memref_slice %arg10[%dma_start3A_75, %dma_start3A_83, %dma_start3A_84] : memref<4x1000x32xf32, #tpu.memory_space<vmem_shared>> -> memref<1x1000x32xf32, #tpu.memory_space<vmem_shared>>
    %dma_start3A_86 = tpu.memref_squeeze %dma_start3A_85 : memref<1x1000x32xf32, #tpu.memory_space<vmem_shared>> -> memref<1000x32xf32, #tpu.memory_space<vmem_shared>>
    %dma_start3A_87 = arith.constant 0 : i32
    %dma_start3A_88 = arith.constant 0 : i32
    %dma_start3A_89 = tpu.memref_slice %dma_start3A_86[%dma_start3A_87, %dma_start3A_88] : memref<1000x32xf32, #tpu.memory_space<vmem_shared>> -> memref<1000x32xf32, #tpu.memory_space<vmem_shared>>
    tpu.enqueue_indirect_dma source(%dma_start3A_89 : memref<1000x32xf32, #tpu.memory_space<vmem_shared>>) target(%dma_start3A_80 : memref<128x32xf32, #tpu.memory_space<vmem>>) offsets(%dma_start3A_82 : memref<128xi32, #tpu.memory_space<vmem>>) semaphore(%arg11 : memref<!tpu.dma_semaphore, #tpu.memory_space<semaphore_mem>>)
    %dma_start3A_90 = arith.constant 1 : i32
    %dma_start3A_91 = arith.constant 1 : i32
    %dma_start3A_92 = arith.constant 0 : i32
    %dma_start3A_93 = arith.constant 0 : i32
    %dma_start3A_94 = tpu.memref_slice %arg9[%dma_start3A_91, %dma_start3A_92, %dma_start3A_93] : memref<8x128x32xf32, #tpu.memory_space<vmem>> -> memref<1x128x32xf32, #tpu.memory_space<vmem>>
    %dma_start3A_95 = tpu.memref_squeeze %dma_start3A_94 : memref<1x128x32xf32, #tpu.memory_space<vmem>> -> memref<128x32xf32, #tpu.memory_space<vmem>>
    %dma_start3A_96 = arith.constant 0 : i32
    %dma_start3A_97 = tpu.memref_slice %arg6[%dma_start3A_96] : memref<6400xi32, #tpu.memory_space<vmem>> -> memref<128xi32, #tpu.memory_space<vmem>>
    %dma_start3A_98 = arith.constant 0 : i32
    %dma_start3A_99 = arith.constant 0 : i32
    %dma_start3A_100 = tpu.memref_slice %arg10[%dma_start3A_90, %dma_start3A_98, %dma_start3A_99] : memref<4x1000x32xf32, #tpu.memory_space<vmem_shared>> -> memref<1x1000x32xf32, #tpu.memory_space<vmem_shared>>
    %dma_start3A_101 = tpu.memref_squeeze %dma_start3A_100 : memref<1x1000x32xf32, #tpu.memory_space<vmem_shared>> -> memref<1000x32xf32, #tpu.memory_space<vmem_shared>>
    %dma_start3A_102 = arith.constant 0 : i32
    %dma_start3A_103 = arith.constant 0 : i32
    %dma_start3A_104 = tpu.memref_slice %dma_start3A_101[%dma_start3A_102, %dma_start3A_103] : memref<1000x32xf32, #tpu.memory_space<vmem_shared>> -> memref<1000x32xf32, #tpu.memory_space<vmem_shared>>
    tpu.enqueue_indirect_dma source(%dma_start3A_104 : memref<1000x32xf32, #tpu.memory_space<vmem_shared>>) target(%dma_start3A_95 : memref<128x32xf32, #tpu.memory_space<vmem>>) offsets(%dma_start3A_97 : memref<128xi32, #tpu.memory_space<vmem>>) semaphore(%arg12 : memref<!tpu.dma_semaphore, #tpu.memory_space<semaphore_mem>>)
    %dma_start3A_105 = arith.constant 2 : i32
    %dma_start3A_106 = arith.constant 2 : i32
    %dma_start3A_107 = arith.constant 0 : i32
    %dma_start3A_108 = arith.constant 0 : i32
    %dma_start3A_109 = tpu.memref_slice %arg9[%dma_start3A_106, %dma_start3A_107, %dma_start3A_108] : memref<8x128x32xf32, #tpu.memory_space<vmem>> -> memref<1x128x32xf32, #tpu.memory_space<vmem>>
    %dma_start3A_110 = tpu.memref_squeeze %dma_start3A_109 : memref<1x128x32xf32, #tpu.memory_space<vmem>> -> memref<128x32xf32, #tpu.memory_space<vmem>>
    %dma_start3A_111 = arith.constant 0 : i32
    %dma_start3A_112 = tpu.memref_slice %arg7[%dma_start3A_111] : memref<6400xi32, #tpu.memory_space<vmem>> -> memref<128xi32, #tpu.memory_space<vmem>>
    %dma_start3A_113 = arith.constant 0 : i32
    %dma_start3A_114 = arith.constant 0 : i32
    %dma_start3A_115 = tpu.memref_slice %arg10[%dma_start3A_105, %dma_start3A_113, %dma_start3A_114] : memref<4x1000x32xf32, #tpu.memory_space<vmem_shared>> -> memref<1x1000x32xf32, #tpu.memory_space<vmem_shared>>
    %dma_start3A_116 = tpu.memref_squeeze %dma_start3A_115 : memref<1x1000x32xf32, #tpu.memory_space<vmem_shared>> -> memref<1000x32xf32, #tpu.memory_space<vmem_shared>>
    %dma_start3A_117 = arith.constant 0 : i32
    %dma_start3A_118 = arith.constant 0 : i32
    %dma_start3A_119 = tpu.memref_slice %dma_start3A_116[%dma_start3A_117, %dma_start3A_118] : memref<1000x32xf32, #tpu.memory_space<vmem_shared>> -> memref<1000x32xf32, #tpu.memory_space<vmem_shared>>
    tpu.enqueue_indirect_dma source(%dma_start3A_119 : memref<1000x32xf32, #tpu.memory_space<vmem_shared>>) target(%dma_start3A_110 : memref<128x32xf32, #tpu.memory_space<vmem>>) offsets(%dma_start3A_112 : memref<128xi32, #tpu.memory_space<vmem>>) semaphore(%arg13 : memref<!tpu.dma_semaphore, #tpu.memory_space<semaphore_mem>>)
    %dma_start3A_120 = arith.constant 3 : i32
    %dma_start3A_121 = arith.constant 3 : i32
    %dma_start3A_122 = arith.constant 0 : i32
    %dma_start3A_123 = arith.constant 0 : i32
    %dma_start3A_124 = tpu.memref_slice %arg9[%dma_start3A_121, %dma_start3A_122, %dma_start3A_123] : memref<8x128x32xf32, #tpu.memory_space<vmem>> -> memref<1x128x32xf32, #tpu.memory_space<vmem>>
    %dma_start3A_125 = tpu.memref_squeeze %dma_start3A_124 : memref<1x128x32xf32, #tpu.memory_space<vmem>> -> memref<128x32xf32, #tpu.memory_space<vmem>>
    %dma_start3A_126 = arith.constant 0 : i32
    %dma_start3A_127 = tpu.memref_slice %arg8[%dma_start3A_126] : memref<6400xi32, #tpu.memory_space<vmem>> -> memref<128xi32, #tpu.memory_space<vmem>>
    %dma_start3A_128 = arith.constant 0 : i32
    %dma_start3A_129 = arith.constant 0 : i32
    %dma_start3A_130 = tpu.memref_slice %arg10[%dma_start3A_120, %dma_start3A_128, %dma_start3A_129] : memref<4x1000x32xf32, #tpu.memory_space<vmem_shared>> -> memref<1x1000x32xf32, #tpu.memory_space<vmem_shared>>
    %dma_start3A_131 = tpu.memref_squeeze %dma_start3A_130 : memref<1x1000x32xf32, #tpu.memory_space<vmem_shared>> -> memref<1000x32xf32, #tpu.memory_space<vmem_shared>>
    %dma_start3A_132 = arith.constant 0 : i32
    %dma_start3A_133 = arith.constant 0 : i32
    %dma_start3A_134 = tpu.memref_slice %dma_start3A_131[%dma_start3A_132, %dma_start3A_133] : memref<1000x32xf32, #tpu.memory_space<vmem_shared>> -> memref<1000x32xf32, #tpu.memory_space<vmem_shared>>
    tpu.enqueue_indirect_dma source(%dma_start3A_134 : memref<1000x32xf32, #tpu.memory_space<vmem_shared>>) target(%dma_start3A_125 : memref<128x32xf32, #tpu.memory_space<vmem>>) offsets(%dma_start3A_127 : memref<128xi32, #tpu.memory_space<vmem>>) semaphore(%arg14 : memref<!tpu.dma_semaphore, #tpu.memory_space<semaphore_mem>>)
    %dma_start3A_135 = arith.constant 0 : i32
    %dma_start3A_136 = arith.constant 4 : i32
    %dma_start3A_137 = arith.constant 0 : i32
    %dma_start3A_138 = arith.constant 0 : i32
    %dma_start3A_139 = tpu.memref_slice %arg9[%dma_start3A_136, %dma_start3A_137, %dma_start3A_138] : memref<8x128x32xf32, #tpu.memory_space<vmem>> -> memref<1x128x32xf32, #tpu.memory_space<vmem>>
    %dma_start3A_140 = tpu.memref_squeeze %dma_start3A_139 : memref<1x128x32xf32, #tpu.memory_space<vmem>> -> memref<128x32xf32, #tpu.memory_space<vmem>>
    %dma_start3A_141 = arith.constant 128 : i32
    %dma_start3A_142 = tpu.memref_slice %arg5[%dma_start3A_141] : memref<6400xi32, #tpu.memory_space<vmem>> -> memref<128xi32, #tpu.memory_space<vmem>>
    %dma_start3A_143 = arith.constant 0 : i32
    %dma_start3A_144 = arith.constant 0 : i32
    %dma_start3A_145 = tpu.memref_slice %arg10[%dma_start3A_135, %dma_start3A_143, %dma_start3A_144] : memref<4x1000x32xf32, #tpu.memory_space<vmem_shared>> -> memref<1x1000x32xf32, #tpu.memory_space<vmem_shared>>
    %dma_start3A_146 = tpu.memref_squeeze %dma_start3A_145 : memref<1x1000x32xf32, #tpu.memory_space<vmem_shared>> -> memref<1000x32xf32, #tpu.memory_space<vmem_shared>>
    %dma_start3A_147 = arith.constant 0 : i32
    %dma_start3A_148 = arith.constant 0 : i32
    %dma_start3A_149 = tpu.memref_slice %dma_start3A_146[%dma_start3A_147, %dma_start3A_148] : memref<1000x32xf32, #tpu.memory_space<vmem_shared>> -> memref<1000x32xf32, #tpu.memory_space<vmem_shared>>
    tpu.enqueue_indirect_dma source(%dma_start3A_149 : memref<1000x32xf32, #tpu.memory_space<vmem_shared>>) target(%dma_start3A_140 : memref<128x32xf32, #tpu.memory_space<vmem>>) offsets(%dma_start3A_142 : memref<128xi32, #tpu.memory_space<vmem>>) semaphore(%arg15 : memref<!tpu.dma_semaphore, #tpu.memory_space<semaphore_mem>>)
    %dma_start3A_150 = arith.constant 1 : i32
    %dma_start3A_151 = arith.constant 5 : i32
    %dma_start3A_152 = arith.constant 0 : i32
    %dma_start3A_153 = arith.constant 0 : i32
    %dma_start3A_154 = tpu.memref_slice %arg9[%dma_start3A_151, %dma_start3A_152, %dma_start3A_153] : memref<8x128x32xf32, #tpu.memory_space<vmem>> -> memref<1x128x32xf32, #tpu.memory_space<vmem>>
    %dma_start3A_155 = tpu.memref_squeeze %dma_start3A_154 : memref<1x128x32xf32, #tpu.memory_space<vmem>> -> memref<128x32xf32, #tpu.memory_space<vmem>>
    %dma_start3A_156 = arith.constant 128 : i32
    %dma_start3A_157 = tpu.memref_slice %arg6[%dma_start3A_156] : memref<6400xi32, #tpu.memory_space<vmem>> -> memref<128xi32, #tpu.memory_space<vmem>>
    %dma_start3A_158 = arith.constant 0 : i32
    %dma_start3A_159 = arith.constant 0 : i32
    %dma_start3A_160 = tpu.memref_slice %arg10[%dma_start3A_150, %dma_start3A_158, %dma_start3A_159] : memref<4x1000x32xf32, #tpu.memory_space<vmem_shared>> -> memref<1x1000x32xf32, #tpu.memory_space<vmem_shared>>
    %dma_start3A_161 = tpu.memref_squeeze %dma_start3A_160 : memref<1x1000x32xf32, #tpu.memory_space<vmem_shared>> -> memref<1000x32xf32, #tpu.memory_space<vmem_shared>>
    %dma_start3A_162 = arith.constant 0 : i32
    %dma_start3A_163 = arith.constant 0 : i32
    %dma_start3A_164 = tpu.memref_slice %dma_start3A_161[%dma_start3A_162, %dma_start3A_163] : memref<1000x32xf32, #tpu.memory_space<vmem_shared>> -> memref<1000x32xf32, #tpu.memory_space<vmem_shared>>
    tpu.enqueue_indirect_dma source(%dma_start3A_164 : memref<1000x32xf32, #tpu.memory_space<vmem_shared>>) target(%dma_start3A_155 : memref<128x32xf32, #tpu.memory_space<vmem>>) offsets(%dma_start3A_157 : memref<128xi32, #tpu.memory_space<vmem>>) semaphore(%arg16 : memref<!tpu.dma_semaphore, #tpu.memory_space<semaphore_mem>>)
    %dma_start3A_165 = arith.constant 2 : i32
    %dma_start3A_166 = arith.constant 6 : i32
    %dma_start3A_167 = arith.constant 0 : i32
    %dma_start3A_168 = arith.constant 0 : i32
    %dma_start3A_169 = tpu.memref_slice %arg9[%dma_start3A_166, %dma_start3A_167, %dma_start3A_168] : memref<8x128x32xf32, #tpu.memory_space<vmem>> -> memref<1x128x32xf32, #tpu.memory_space<vmem>>
    %dma_start3A_170 = tpu.memref_squeeze %dma_start3A_169 : memref<1x128x32xf32, #tpu.memory_space<vmem>> -> memref<128x32xf32, #tpu.memory_space<vmem>>
    %dma_start3A_171 = arith.constant 128 : i32
    %dma_start3A_172 = tpu.memref_slice %arg7[%dma_start3A_171] : memref<6400xi32, #tpu.memory_space<vmem>> -> memref<128xi32, #tpu.memory_space<vmem>>
    %dma_start3A_173 = arith.constant 0 : i32
    %dma_start3A_174 = arith.constant 0 : i32
    %dma_start3A_175 = tpu.memref_slice %arg10[%dma_start3A_165, %dma_start3A_173, %dma_start3A_174] : memref<4x1000x32xf32, #tpu.memory_space<vmem_shared>> -> memref<1x1000x32xf32, #tpu.memory_space<vmem_shared>>
    %dma_start3A_176 = tpu.memref_squeeze %dma_start3A_175 : memref<1x1000x32xf32, #tpu.memory_space<vmem_shared>> -> memref<1000x32xf32, #tpu.memory_space<vmem_shared>>
    %dma_start3A_177 = arith.constant 0 : i32
    %dma_start3A_178 = arith.constant 0 : i32
    %dma_start3A_179 = tpu.memref_slice %dma_start3A_176[%dma_start3A_177, %dma_start3A_178] : memref<1000x32xf32, #tpu.memory_space<vmem_shared>> -> memref<1000x32xf32, #tpu.memory_space<vmem_shared>>
    tpu.enqueue_indirect_dma source(%dma_start3A_179 : memref<1000x32xf32, #tpu.memory_space<vmem_shared>>) target(%dma_start3A_170 : memref<128x32xf32, #tpu.memory_space<vmem>>) offsets(%dma_start3A_172 : memref<128xi32, #tpu.memory_space<vmem>>) semaphore(%arg17 : memref<!tpu.dma_semaphore, #tpu.memory_space<semaphore_mem>>)
    %dma_start3A_180 = arith.constant 3 : i32
    %dma_start3A_181 = arith.constant 7 : i32
    %dma_start3A_182 = arith.constant 0 : i32
    %dma_start3A_183 = arith.constant 0 : i32
    %dma_start3A_184 = tpu.memref_slice %arg9[%dma_start3A_181, %dma_start3A_182, %dma_start3A_183] : memref<8x128x32xf32, #tpu.memory_space<vmem>> -> memref<1x128x32xf32, #tpu.memory_space<vmem>>
    %dma_start3A_185 = tpu.memref_squeeze %dma_start3A_184 : memref<1x128x32xf32, #tpu.memory_space<vmem>> -> memref<128x32xf32, #tpu.memory_space<vmem>>
    %dma_start3A_186 = arith.constant 128 : i32
    %dma_start3A_187 = tpu.memref_slice %arg8[%dma_start3A_186] : memref<6400xi32, #tpu.memory_space<vmem>> -> memref<128xi32, #tpu.memory_space<vmem>>
    %dma_start3A_188 = arith.constant 0 : i32
    %dma_start3A_189 = arith.constant 0 : i32
    %dma_start3A_190 = tpu.memref_slice %arg10[%dma_start3A_180, %dma_start3A_188, %dma_start3A_189] : memref<4x1000x32xf32, #tpu.memory_space<vmem_shared>> -> memref<1x1000x32xf32, #tpu.memory_space<vmem_shared>>
    %dma_start3A_191 = tpu.memref_squeeze %dma_start3A_190 : memref<1x1000x32xf32, #tpu.memory_space<vmem_shared>> -> memref<1000x32xf32, #tpu.memory_space<vmem_shared>>
    %dma_start3A_192 = arith.constant 0 : i32
    %dma_start3A_193 = arith.constant 0 : i32
    %dma_start3A_194 = tpu.memref_slice %dma_start3A_191[%dma_start3A_192, %dma_start3A_193] : memref<1000x32xf32, #tpu.memory_space<vmem_shared>> -> memref<1000x32xf32, #tpu.memory_space<vmem_shared>>
    tpu.enqueue_indirect_dma source(%dma_start3A_194 : memref<1000x32xf32, #tpu.memory_space<vmem_shared>>) target(%dma_start3A_185 : memref<128x32xf32, #tpu.memory_space<vmem>>) offsets(%dma_start3A_187 : memref<128xi32, #tpu.memory_space<vmem>>) semaphore(%arg18 : memref<!tpu.dma_semaphore, #tpu.memory_space<semaphore_mem>>)
    %scan3A = arith.constant 0 : i32
    %scan3A_195 = arith.constant 0 : i32
    %scan3A_196 = arith.constant 25 : i32
    %scan3A_197 = arith.addi %scan3A_195, %scan3A_196 : i32
    %scan3A_198 = arith.constant 1 : i32
    scf.for %scan3A_320 = %scan3A_195 to %scan3A_197 step %scan3A_198  : i32 {
      %mul3A_321 = arith.constant 8 : i32
      %mul3A_322 = arith.muli %scan3A_320, %mul3A_321 : i32
      %add3A_323 = arith.constant 0 : i32
      %add3A_324 = arith.addi %mul3A_322, %add3A_323 : i32
      %jit3A = arith.constant 4 : i32
      %div3A = arith.divsi %add3A_324, %jit3A : i32
      %sign3A = arith.constant 0 : i32
      %sign3A_325 = arith.cmpi sgt, %add3A_324, %sign3A : i32
      %sign3A_326 = arith.extui %sign3A_325 : i1 to i32
      %sign3A_327 = arith.constant 0 : i32
      %sign3A_328 = arith.cmpi slt, %add3A_324, %sign3A_327 : i32
      %sign3A_329 = arith.extui %sign3A_328 : i1 to i32
      %sign3A_330 = arith.subi %sign3A_326, %sign3A_329 : i32
      %sign3A_331 = arith.constant 0 : i32
      %sign3A_332 = arith.cmpi sgt, %jit3A, %sign3A_331 : i32
      %sign3A_333 = arith.extui %sign3A_332 : i1 to i32
      %sign3A_334 = arith.constant 0 : i32
      %sign3A_335 = arith.cmpi slt, %jit3A, %sign3A_334 : i32
      %sign3A_336 = arith.extui %sign3A_335 : i1 to i32
      %sign3A_337 = arith.subi %sign3A_333, %sign3A_336 : i32
      %ne3A = arith.cmpi ne, %sign3A_330, %sign3A_337 : i32
      %rem3A = arith.remsi %add3A_324, %jit3A : i32
      %ne3A_338 = arith.constant 0 : i32
      %ne3A_339 = arith.cmpi ne, %rem3A, %ne3A_338 : i32
      %and3A = arith.andi %ne3A, %ne3A_339 : i1
      %sub3A = arith.constant 1 : i32
      %sub3A_340 = arith.subi %div3A, %sub3A : i32
      %select_n3A = arith.select %and3A, %sub3A_340, %div3A : i32
      %mul3A_341 = arith.constant 128 : i32
      %mul3A_342 = arith.muli %select_n3A, %mul3A_341 : i32
      %dma_wait3A_343 = arith.constant 0 : i32
      %dma_wait3A_344 = arith.constant 0 : i32
      %dma_wait3A_345 = arith.constant 0 : i32
      %dma_wait3A_346 = arith.constant 0 : i32
      %dma_wait3A_347 = tpu.memref_slice %arg9[%dma_wait3A_344, %dma_wait3A_345, %dma_wait3A_346] : memref<8x128x32xf32, #tpu.memory_space<vmem>> -> memref<1x128x32xf32, #tpu.memory_space<vmem>>
      %dma_wait3A_348 = tpu.memref_squeeze %dma_wait3A_347 : memref<1x128x32xf32, #tpu.memory_space<vmem>> -> memref<128x32xf32, #tpu.memory_space<vmem>>
      %dma_wait3A_349 = tpu.memref_slice %arg5[%mul3A_342] : memref<6400xi32, #tpu.memory_space<vmem>> -> memref<128xi32, #tpu.memory_space<vmem>>
      %dma_wait3A_350 = arith.constant 0 : i32
      %dma_wait3A_351 = arith.constant 0 : i32
      %dma_wait3A_352 = tpu.memref_slice %arg10[%dma_wait3A_343, %dma_wait3A_350, %dma_wait3A_351] : memref<4x1000x32xf32, #tpu.memory_space<vmem_shared>> -> memref<1x1000x32xf32, #tpu.memory_space<vmem_shared>>
      %dma_wait3A_353 = tpu.memref_squeeze %dma_wait3A_352 : memref<1x1000x32xf32, #tpu.memory_space<vmem_shared>> -> memref<1000x32xf32, #tpu.memory_space<vmem_shared>>
      %dma_wait3A_354 = arith.constant 0 : i32
      %dma_wait3A_355 = arith.constant 0 : i32
      %dma_wait3A_356 = tpu.memref_slice %dma_wait3A_353[%dma_wait3A_354, %dma_wait3A_355] : memref<1000x32xf32, #tpu.memory_space<vmem_shared>> -> memref<1000x32xf32, #tpu.memory_space<vmem_shared>>
      tpu.wait_indirect_dma semaphore(%arg11 : memref<!tpu.dma_semaphore, #tpu.memory_space<semaphore_mem>>) src(%dma_wait3A_356 : memref<1000x32xf32, #tpu.memory_space<vmem_shared>>) dst(%dma_wait3A_348 : memref<128x32xf32, #tpu.memory_space<vmem>>)
      %jit3A_357 = arith.constant 4 : i32
      %div3A_358 = arith.divsi %add3A_324, %jit3A_357 : i32
      %sign3A_359 = arith.constant 0 : i32
      %sign3A_360 = arith.cmpi sgt, %add3A_324, %sign3A_359 : i32
      %sign3A_361 = arith.extui %sign3A_360 : i1 to i32
      %sign3A_362 = arith.constant 0 : i32
      %sign3A_363 = arith.cmpi slt, %add3A_324, %sign3A_362 : i32
      %sign3A_364 = arith.extui %sign3A_363 : i1 to i32
      %sign3A_365 = arith.subi %sign3A_361, %sign3A_364 : i32
      %sign3A_366 = arith.constant 0 : i32
      %sign3A_367 = arith.cmpi sgt, %jit3A_357, %sign3A_366 : i32
      %sign3A_368 = arith.extui %sign3A_367 : i1 to i32
      %sign3A_369 = arith.constant 0 : i32
      %sign3A_370 = arith.cmpi slt, %jit3A_357, %sign3A_369 : i32
      %sign3A_371 = arith.extui %sign3A_370 : i1 to i32
      %sign3A_372 = arith.subi %sign3A_368, %sign3A_371 : i32
      %ne3A_373 = arith.cmpi ne, %sign3A_365, %sign3A_372 : i32
      %rem3A_374 = arith.remsi %add3A_324, %jit3A_357 : i32
      %ne3A_375 = arith.constant 0 : i32
      %ne3A_376 = arith.cmpi ne, %rem3A_374, %ne3A_375 : i32
      %and3A_377 = arith.andi %ne3A_373, %ne3A_376 : i1
      %sub3A_378 = arith.constant 1 : i32
      %sub3A_379 = arith.subi %div3A_358, %sub3A_378 : i32
      %select_n3A_380 = arith.select %and3A_377, %sub3A_379, %div3A_358 : i32
      %mul3A_381 = arith.constant 128 : i32
      %mul3A_382 = arith.muli %select_n3A_380, %mul3A_381 : i32
      %add3A_383 = arith.addi %mul3A_2, %mul3A_382 : i32
      %dma_start3A_384 = arith.constant 0 : i32
      %dma_start3A_385 = arith.constant 0 : i32
      %dma_start3A_386 = arith.constant 0 : i32
      %dma_start3A_387 = tpu.memref_slice %arg9[%dma_start3A_384, %dma_start3A_385, %dma_start3A_386] : memref<8x128x32xf32, #tpu.memory_space<vmem>> -> memref<1x128x32xf32, #tpu.memory_space<vmem>>
      %dma_start3A_388 = tpu.memref_squeeze %dma_start3A_387 : memref<1x128x32xf32, #tpu.memory_space<vmem>> -> memref<128x32xf32, #tpu.memory_space<vmem>>
      %dma_start3A_389 = arith.constant 0 : i32
      %dma_start3A_390 = tpu.memref_slice %arg4[%add3A_383, %dma_start3A_389] : memref<204800x128xf32, #tpu.memory_space<hbm>> -> memref<128x32xf32, #tpu.memory_space<hbm>>
      %dma_start3A_391 = arith.constant 0 : i32
      %dma_start3A_392 = tpu.memref_slice %arg4[%add3A_383, %dma_start3A_391] : memref<204800x128xf32, #tpu.memory_space<hbm>> -> memref<128x32xf32, #tpu.memory_space<hbm>>
      %dma_start3A_393 = arith.constant 0 : i32
      %dma_start3A_394 = arith.constant 0 : i32
      %dma_start3A_395 = tpu.memref_slice %arg9[%dma_start3A_384, %dma_start3A_393, %dma_start3A_394] : memref<8x128x32xf32, #tpu.memory_space<vmem>> -> memref<1x128x32xf32, #tpu.memory_space<vmem>>
      %dma_start3A_396 = tpu.memref_squeeze %dma_start3A_395 : memref<1x128x32xf32, #tpu.memory_space<vmem>> -> memref<128x32xf32, #tpu.memory_space<vmem>>
      tpu.enqueue_dma source(%dma_start3A_396 : memref<128x32xf32, #tpu.memory_space<vmem>>) target(%dma_start3A_392 : memref<128x32xf32, #tpu.memory_space<hbm>>) target_semaphore(%arg19 : memref<!tpu.dma_semaphore, #tpu.memory_space<semaphore_mem>>)
      %lt3A = arith.constant 24 : i32
      %lt3A_397 = arith.cmpi slt, %scan3A_320, %lt3A : i32
      %convert_element_type3A_398 = arith.extui %lt3A_397 : i1 to i32
      %cond3A_399 = arith.constant 0 : i32
      %cond3A_400 = arith.cmpi ne, %convert_element_type3A_398, %cond3A_399 : i32
      scf.if %cond3A_400 {
        %jit3A_1010 = arith.constant 4 : i32
        %div3A_1011 = arith.divsi %add3A_324, %jit3A_1010 : i32
        %sign3A_1012 = arith.constant 0 : i32
        %sign3A_1013 = arith.cmpi sgt, %add3A_324, %sign3A_1012 : i32
        %sign3A_1014 = arith.extui %sign3A_1013 : i1 to i32
        %sign3A_1015 = arith.constant 0 : i32
        %sign3A_1016 = arith.cmpi slt, %add3A_324, %sign3A_1015 : i32
        %sign3A_1017 = arith.extui %sign3A_1016 : i1 to i32
        %sign3A_1018 = arith.subi %sign3A_1014, %sign3A_1017 : i32
        %sign3A_1019 = arith.constant 0 : i32
        %sign3A_1020 = arith.cmpi sgt, %jit3A_1010, %sign3A_1019 : i32
        %sign3A_1021 = arith.extui %sign3A_1020 : i1 to i32
        %sign3A_1022 = arith.constant 0 : i32
        %sign3A_1023 = arith.cmpi slt, %jit3A_1010, %sign3A_1022 : i32
        %sign3A_1024 = arith.extui %sign3A_1023 : i1 to i32
        %sign3A_1025 = arith.subi %sign3A_1021, %sign3A_1024 : i32
        %ne3A_1026 = arith.cmpi ne, %sign3A_1018, %sign3A_1025 : i32
        %rem3A_1027 = arith.remsi %add3A_324, %jit3A_1010 : i32
        %ne3A_1028 = arith.constant 0 : i32
        %ne3A_1029 = arith.cmpi ne, %rem3A_1027, %ne3A_1028 : i32
        %and3A_1030 = arith.andi %ne3A_1026, %ne3A_1029 : i1
        %sub3A_1031 = arith.constant 1 : i32
        %sub3A_1032 = arith.subi %div3A_1011, %sub3A_1031 : i32
        %select_n3A_1033 = arith.select %and3A_1030, %sub3A_1032, %div3A_1011 : i32
        %mul3A_1034 = arith.constant 128 : i32
        %mul3A_1035 = arith.muli %select_n3A_1033, %mul3A_1034 : i32
        %add3A_1036 = arith.addi %mul3A_2, %mul3A_1035 : i32
        %dma_wait3A_1037 = arith.constant 0 : i32
        %dma_wait3A_1038 = arith.constant 0 : i32
        %dma_wait3A_1039 = arith.constant 0 : i32
        %dma_wait3A_1040 = tpu.memref_slice %arg9[%dma_wait3A_1037, %dma_wait3A_1038, %dma_wait3A_1039] : memref<8x128x32xf32, #tpu.memory_space<vmem>> -> memref<1x128x32xf32, #tpu.memory_space<vmem>>
        %dma_wait3A_1041 = tpu.memref_squeeze %dma_wait3A_1040 : memref<1x128x32xf32, #tpu.memory_space<vmem>> -> memref<128x32xf32, #tpu.memory_space<vmem>>
        %dma_wait3A_1042 = arith.constant 0 : i32
        %dma_wait3A_1043 = tpu.memref_slice %arg4[%add3A_1036, %dma_wait3A_1042] : memref<204800x128xf32, #tpu.memory_space<hbm>> -> memref<128x32xf32, #tpu.memory_space<hbm>>
        %dma_wait3A_1044 = arith.constant 0 : i32
        %dma_wait3A_1045 = tpu.memref_slice %arg4[%add3A_1036, %dma_wait3A_1044] : memref<204800x128xf32, #tpu.memory_space<hbm>> -> memref<128x32xf32, #tpu.memory_space<hbm>>
        %dma_wait3A_1046 = arith.constant 0 : i32
        %dma_wait3A_1047 = arith.constant 0 : i32
        %dma_wait3A_1048 = tpu.memref_slice %arg9[%dma_wait3A_1037, %dma_wait3A_1046, %dma_wait3A_1047] : memref<8x128x32xf32, #tpu.memory_space<vmem>> -> memref<1x128x32xf32, #tpu.memory_space<vmem>>
        %dma_wait3A_1049 = tpu.memref_squeeze %dma_wait3A_1048 : memref<1x128x32xf32, #tpu.memory_space<vmem>> -> memref<128x32xf32, #tpu.memory_space<vmem>>
        tpu.wait_dma2 semaphore(%arg19 : memref<!tpu.dma_semaphore, #tpu.memory_space<semaphore_mem>>) src(%dma_wait3A_1049 : memref<128x32xf32, #tpu.memory_space<vmem>>) dst(%dma_wait3A_1045 : memref<128x32xf32, #tpu.memory_space<hbm>>)
        %add3A_1050 = arith.constant 8 : i32
        %add3A_1051 = arith.addi %add3A_324, %add3A_1050 : i32
        %jit3A_1052 = arith.constant 4 : i32
        %div3A_1053 = arith.divsi %add3A_1051, %jit3A_1052 : i32
        %sign3A_1054 = arith.constant 0 : i32
        %sign3A_1055 = arith.cmpi sgt, %add3A_1051, %sign3A_1054 : i32
        %sign3A_1056 = arith.extui %sign3A_1055 : i1 to i32
        %sign3A_1057 = arith.constant 0 : i32
        %sign3A_1058 = arith.cmpi slt, %add3A_1051, %sign3A_1057 : i32
        %sign3A_1059 = arith.extui %sign3A_1058 : i1 to i32
        %sign3A_1060 = arith.subi %sign3A_1056, %sign3A_1059 : i32
        %sign3A_1061 = arith.constant 0 : i32
        %sign3A_1062 = arith.cmpi sgt, %jit3A_1052, %sign3A_1061 : i32
        %sign3A_1063 = arith.extui %sign3A_1062 : i1 to i32
        %sign3A_1064 = arith.constant 0 : i32
        %sign3A_1065 = arith.cmpi slt, %jit3A_1052, %sign3A_1064 : i32
        %sign3A_1066 = arith.extui %sign3A_1065 : i1 to i32
        %sign3A_1067 = arith.subi %sign3A_1063, %sign3A_1066 : i32
        %ne3A_1068 = arith.cmpi ne, %sign3A_1060, %sign3A_1067 : i32
        %rem3A_1069 = arith.remsi %add3A_1051, %jit3A_1052 : i32
        %ne3A_1070 = arith.constant 0 : i32
        %ne3A_1071 = arith.cmpi ne, %rem3A_1069, %ne3A_1070 : i32
        %and3A_1072 = arith.andi %ne3A_1068, %ne3A_1071 : i1
        %sub3A_1073 = arith.constant 1 : i32
        %sub3A_1074 = arith.subi %div3A_1053, %sub3A_1073 : i32
        %select_n3A_1075 = arith.select %and3A_1072, %sub3A_1074, %div3A_1053 : i32
        %mul3A_1076 = arith.constant 128 : i32
        %mul3A_1077 = arith.muli %select_n3A_1075, %mul3A_1076 : i32
        %dma_start3A_1078 = arith.constant 0 : i32
        %dma_start3A_1079 = arith.constant 0 : i32
        %dma_start3A_1080 = arith.constant 0 : i32
        %dma_start3A_1081 = arith.constant 0 : i32
        %dma_start3A_1082 = tpu.memref_slice %arg9[%dma_start3A_1079, %dma_start3A_1080, %dma_start3A_1081] : memref<8x128x32xf32, #tpu.memory_space<vmem>> -> memref<1x128x32xf32, #tpu.memory_space<vmem>>
        %dma_start3A_1083 = tpu.memref_squeeze %dma_start3A_1082 : memref<1x128x32xf32, #tpu.memory_space<vmem>> -> memref<128x32xf32, #tpu.memory_space<vmem>>
        %dma_start3A_1084 = tpu.memref_slice %arg5[%mul3A_1077] : memref<6400xi32, #tpu.memory_space<vmem>> -> memref<128xi32, #tpu.memory_space<vmem>>
        %dma_start3A_1085 = arith.constant 0 : i32
        %dma_start3A_1086 = arith.constant 0 : i32
        %dma_start3A_1087 = tpu.memref_slice %arg10[%dma_start3A_1078, %dma_start3A_1085, %dma_start3A_1086] : memref<4x1000x32xf32, #tpu.memory_space<vmem_shared>> -> memref<1x1000x32xf32, #tpu.memory_space<vmem_shared>>
        %dma_start3A_1088 = tpu.memref_squeeze %dma_start3A_1087 : memref<1x1000x32xf32, #tpu.memory_space<vmem_shared>> -> memref<1000x32xf32, #tpu.memory_space<vmem_shared>>
        %dma_start3A_1089 = arith.constant 0 : i32
        %dma_start3A_1090 = arith.constant 0 : i32
        %dma_start3A_1091 = tpu.memref_slice %dma_start3A_1088[%dma_start3A_1089, %dma_start3A_1090] : memref<1000x32xf32, #tpu.memory_space<vmem_shared>> -> memref<1000x32xf32, #tpu.memory_space<vmem_shared>>
        tpu.enqueue_indirect_dma source(%dma_start3A_1091 : memref<1000x32xf32, #tpu.memory_space<vmem_shared>>) target(%dma_start3A_1083 : memref<128x32xf32, #tpu.memory_space<vmem>>) offsets(%dma_start3A_1084 : memref<128xi32, #tpu.memory_space<vmem>>) semaphore(%arg11 : memref<!tpu.dma_semaphore, #tpu.memory_space<semaphore_mem>>)
      } else {
      }
      %add3A_401 = arith.constant 1 : i32
      %add3A_402 = arith.addi %mul3A_322, %add3A_401 : i32
      %jit3A_403 = arith.constant 4 : i32
      %div3A_404 = arith.divsi %add3A_402, %jit3A_403 : i32
      %sign3A_405 = arith.constant 0 : i32
      %sign3A_406 = arith.cmpi sgt, %add3A_402, %sign3A_405 : i32
      %sign3A_407 = arith.extui %sign3A_406 : i1 to i32
      %sign3A_408 = arith.constant 0 : i32
      %sign3A_409 = arith.cmpi slt, %add3A_402, %sign3A_408 : i32
      %sign3A_410 = arith.extui %sign3A_409 : i1 to i32
      %sign3A_411 = arith.subi %sign3A_407, %sign3A_410 : i32
      %sign3A_412 = arith.constant 0 : i32
      %sign3A_413 = arith.cmpi sgt, %jit3A_403, %sign3A_412 : i32
      %sign3A_414 = arith.extui %sign3A_413 : i1 to i32
      %sign3A_415 = arith.constant 0 : i32
      %sign3A_416 = arith.cmpi slt, %jit3A_403, %sign3A_415 : i32
      %sign3A_417 = arith.extui %sign3A_416 : i1 to i32
      %sign3A_418 = arith.subi %sign3A_414, %sign3A_417 : i32
      %ne3A_419 = arith.cmpi ne, %sign3A_411, %sign3A_418 : i32
      %rem3A_420 = arith.remsi %add3A_402, %jit3A_403 : i32
      %ne3A_421 = arith.constant 0 : i32
      %ne3A_422 = arith.cmpi ne, %rem3A_420, %ne3A_421 : i32
      %and3A_423 = arith.andi %ne3A_419, %ne3A_422 : i1
      %sub3A_424 = arith.constant 1 : i32
      %sub3A_425 = arith.subi %div3A_404, %sub3A_424 : i32
      %select_n3A_426 = arith.select %and3A_423, %sub3A_425, %div3A_404 : i32
      %mul3A_427 = arith.constant 128 : i32
      %mul3A_428 = arith.muli %select_n3A_426, %mul3A_427 : i32
      %dma_wait3A_429 = arith.constant 1 : i32
      %dma_wait3A_430 = arith.constant 1 : i32
      %dma_wait3A_431 = arith.constant 0 : i32
      %dma_wait3A_432 = arith.constant 0 : i32
      %dma_wait3A_433 = tpu.memref_slice %arg9[%dma_wait3A_430, %dma_wait3A_431, %dma_wait3A_432] : memref<8x128x32xf32, #tpu.memory_space<vmem>> -> memref<1x128x32xf32, #tpu.memory_space<vmem>>
      %dma_wait3A_434 = tpu.memref_squeeze %dma_wait3A_433 : memref<1x128x32xf32, #tpu.memory_space<vmem>> -> memref<128x32xf32, #tpu.memory_space<vmem>>
      %dma_wait3A_435 = tpu.memref_slice %arg6[%mul3A_428] : memref<6400xi32, #tpu.memory_space<vmem>> -> memref<128xi32, #tpu.memory_space<vmem>>
      %dma_wait3A_436 = arith.constant 0 : i32
      %dma_wait3A_437 = arith.constant 0 : i32
      %dma_wait3A_438 = tpu.memref_slice %arg10[%dma_wait3A_429, %dma_wait3A_436, %dma_wait3A_437] : memref<4x1000x32xf32, #tpu.memory_space<vmem_shared>> -> memref<1x1000x32xf32, #tpu.memory_space<vmem_shared>>
      %dma_wait3A_439 = tpu.memref_squeeze %dma_wait3A_438 : memref<1x1000x32xf32, #tpu.memory_space<vmem_shared>> -> memref<1000x32xf32, #tpu.memory_space<vmem_shared>>
      %dma_wait3A_440 = arith.constant 0 : i32
      %dma_wait3A_441 = arith.constant 0 : i32
      %dma_wait3A_442 = tpu.memref_slice %dma_wait3A_439[%dma_wait3A_440, %dma_wait3A_441] : memref<1000x32xf32, #tpu.memory_space<vmem_shared>> -> memref<1000x32xf32, #tpu.memory_space<vmem_shared>>
      tpu.wait_indirect_dma semaphore(%arg12 : memref<!tpu.dma_semaphore, #tpu.memory_space<semaphore_mem>>) src(%dma_wait3A_442 : memref<1000x32xf32, #tpu.memory_space<vmem_shared>>) dst(%dma_wait3A_434 : memref<128x32xf32, #tpu.memory_space<vmem>>)
      %jit3A_443 = arith.constant 4 : i32
      %div3A_444 = arith.divsi %add3A_402, %jit3A_443 : i32
      %sign3A_445 = arith.constant 0 : i32
      %sign3A_446 = arith.cmpi sgt, %add3A_402, %sign3A_445 : i32
      %sign3A_447 = arith.extui %sign3A_446 : i1 to i32
      %sign3A_448 = arith.constant 0 : i32
      %sign3A_449 = arith.cmpi slt, %add3A_402, %sign3A_448 : i32
      %sign3A_450 = arith.extui %sign3A_449 : i1 to i32
      %sign3A_451 = arith.subi %sign3A_447, %sign3A_450 : i32
      %sign3A_452 = arith.constant 0 : i32
      %sign3A_453 = arith.cmpi sgt, %jit3A_443, %sign3A_452 : i32
      %sign3A_454 = arith.extui %sign3A_453 : i1 to i32
      %sign3A_455 = arith.constant 0 : i32
      %sign3A_456 = arith.cmpi slt, %jit3A_443, %sign3A_455 : i32
      %sign3A_457 = arith.extui %sign3A_456 : i1 to i32
      %sign3A_458 = arith.subi %sign3A_454, %sign3A_457 : i32
      %ne3A_459 = arith.cmpi ne, %sign3A_451, %sign3A_458 : i32
      %rem3A_460 = arith.remsi %add3A_402, %jit3A_443 : i32
      %ne3A_461 = arith.constant 0 : i32
      %ne3A_462 = arith.cmpi ne, %rem3A_460, %ne3A_461 : i32
      %and3A_463 = arith.andi %ne3A_459, %ne3A_462 : i1
      %sub3A_464 = arith.constant 1 : i32
      %sub3A_465 = arith.subi %div3A_444, %sub3A_464 : i32
      %select_n3A_466 = arith.select %and3A_463, %sub3A_465, %div3A_444 : i32
      %mul3A_467 = arith.constant 128 : i32
      %mul3A_468 = arith.muli %select_n3A_466, %mul3A_467 : i32
      %add3A_469 = arith.addi %mul3A_2, %mul3A_468 : i32
      %dma_start3A_470 = arith.constant 1 : i32
      %dma_start3A_471 = arith.constant 0 : i32
      %dma_start3A_472 = arith.constant 0 : i32
      %dma_start3A_473 = tpu.memref_slice %arg9[%dma_start3A_470, %dma_start3A_471, %dma_start3A_472] : memref<8x128x32xf32, #tpu.memory_space<vmem>> -> memref<1x128x32xf32, #tpu.memory_space<vmem>>
      %dma_start3A_474 = tpu.memref_squeeze %dma_start3A_473 : memref<1x128x32xf32, #tpu.memory_space<vmem>> -> memref<128x32xf32, #tpu.memory_space<vmem>>
      %dma_start3A_475 = arith.constant 32 : i32
      %dma_start3A_476 = tpu.memref_slice %arg4[%add3A_469, %dma_start3A_475] : memref<204800x128xf32, #tpu.memory_space<hbm>> -> memref<128x32xf32, #tpu.memory_space<hbm>>
      %dma_start3A_477 = arith.constant 32 : i32
      %dma_start3A_478 = tpu.memref_slice %arg4[%add3A_469, %dma_start3A_477] : memref<204800x128xf32, #tpu.memory_space<hbm>> -> memref<128x32xf32, #tpu.memory_space<hbm>>
      %dma_start3A_479 = arith.constant 0 : i32
      %dma_start3A_480 = arith.constant 0 : i32
      %dma_start3A_481 = tpu.memref_slice %arg9[%dma_start3A_470, %dma_start3A_479, %dma_start3A_480] : memref<8x128x32xf32, #tpu.memory_space<vmem>> -> memref<1x128x32xf32, #tpu.memory_space<vmem>>
      %dma_start3A_482 = tpu.memref_squeeze %dma_start3A_481 : memref<1x128x32xf32, #tpu.memory_space<vmem>> -> memref<128x32xf32, #tpu.memory_space<vmem>>
      tpu.enqueue_dma source(%dma_start3A_482 : memref<128x32xf32, #tpu.memory_space<vmem>>) target(%dma_start3A_478 : memref<128x32xf32, #tpu.memory_space<hbm>>) target_semaphore(%arg20 : memref<!tpu.dma_semaphore, #tpu.memory_space<semaphore_mem>>)
      %lt3A_483 = arith.constant 24 : i32
      %lt3A_484 = arith.cmpi slt, %scan3A_320, %lt3A_483 : i32
      %convert_element_type3A_485 = arith.extui %lt3A_484 : i1 to i32
      %cond3A_486 = arith.constant 0 : i32
      %cond3A_487 = arith.cmpi ne, %convert_element_type3A_485, %cond3A_486 : i32
      scf.if %cond3A_487 {
        %jit3A_1010 = arith.constant 4 : i32
        %div3A_1011 = arith.divsi %add3A_402, %jit3A_1010 : i32
        %sign3A_1012 = arith.constant 0 : i32
        %sign3A_1013 = arith.cmpi sgt, %add3A_402, %sign3A_1012 : i32
        %sign3A_1014 = arith.extui %sign3A_1013 : i1 to i32
        %sign3A_1015 = arith.constant 0 : i32
        %sign3A_1016 = arith.cmpi slt, %add3A_402, %sign3A_1015 : i32
        %sign3A_1017 = arith.extui %sign3A_1016 : i1 to i32
        %sign3A_1018 = arith.subi %sign3A_1014, %sign3A_1017 : i32
        %sign3A_1019 = arith.constant 0 : i32
        %sign3A_1020 = arith.cmpi sgt, %jit3A_1010, %sign3A_1019 : i32
        %sign3A_1021 = arith.extui %sign3A_1020 : i1 to i32
        %sign3A_1022 = arith.constant 0 : i32
        %sign3A_1023 = arith.cmpi slt, %jit3A_1010, %sign3A_1022 : i32
        %sign3A_1024 = arith.extui %sign3A_1023 : i1 to i32
        %sign3A_1025 = arith.subi %sign3A_1021, %sign3A_1024 : i32
        %ne3A_1026 = arith.cmpi ne, %sign3A_1018, %sign3A_1025 : i32
        %rem3A_1027 = arith.remsi %add3A_402, %jit3A_1010 : i32
        %ne3A_1028 = arith.constant 0 : i32
        %ne3A_1029 = arith.cmpi ne, %rem3A_1027, %ne3A_1028 : i32
        %and3A_1030 = arith.andi %ne3A_1026, %ne3A_1029 : i1
        %sub3A_1031 = arith.constant 1 : i32
        %sub3A_1032 = arith.subi %div3A_1011, %sub3A_1031 : i32
        %select_n3A_1033 = arith.select %and3A_1030, %sub3A_1032, %div3A_1011 : i32
        %mul3A_1034 = arith.constant 128 : i32
        %mul3A_1035 = arith.muli %select_n3A_1033, %mul3A_1034 : i32
        %add3A_1036 = arith.addi %mul3A_2, %mul3A_1035 : i32
        %dma_wait3A_1037 = arith.constant 1 : i32
        %dma_wait3A_1038 = arith.constant 0 : i32
        %dma_wait3A_1039 = arith.constant 0 : i32
        %dma_wait3A_1040 = tpu.memref_slice %arg9[%dma_wait3A_1037, %dma_wait3A_1038, %dma_wait3A_1039] : memref<8x128x32xf32, #tpu.memory_space<vmem>> -> memref<1x128x32xf32, #tpu.memory_space<vmem>>
        %dma_wait3A_1041 = tpu.memref_squeeze %dma_wait3A_1040 : memref<1x128x32xf32, #tpu.memory_space<vmem>> -> memref<128x32xf32, #tpu.memory_space<vmem>>
        %dma_wait3A_1042 = arith.constant 32 : i32
        %dma_wait3A_1043 = tpu.memref_slice %arg4[%add3A_1036, %dma_wait3A_1042] : memref<204800x128xf32, #tpu.memory_space<hbm>> -> memref<128x32xf32, #tpu.memory_space<hbm>>
        %dma_wait3A_1044 = arith.constant 32 : i32
        %dma_wait3A_1045 = tpu.memref_slice %arg4[%add3A_1036, %dma_wait3A_1044] : memref<204800x128xf32, #tpu.memory_space<hbm>> -> memref<128x32xf32, #tpu.memory_space<hbm>>
        %dma_wait3A_1046 = arith.constant 0 : i32
        %dma_wait3A_1047 = arith.constant 0 : i32
        %dma_wait3A_1048 = tpu.memref_slice %arg9[%dma_wait3A_1037, %dma_wait3A_1046, %dma_wait3A_1047] : memref<8x128x32xf32, #tpu.memory_space<vmem>> -> memref<1x128x32xf32, #tpu.memory_space<vmem>>
        %dma_wait3A_1049 = tpu.memref_squeeze %dma_wait3A_1048 : memref<1x128x32xf32, #tpu.memory_space<vmem>> -> memref<128x32xf32, #tpu.memory_space<vmem>>
        tpu.wait_dma2 semaphore(%arg20 : memref<!tpu.dma_semaphore, #tpu.memory_space<semaphore_mem>>) src(%dma_wait3A_1049 : memref<128x32xf32, #tpu.memory_space<vmem>>) dst(%dma_wait3A_1045 : memref<128x32xf32, #tpu.memory_space<hbm>>)
        %add3A_1050 = arith.constant 8 : i32
        %add3A_1051 = arith.addi %add3A_402, %add3A_1050 : i32
        %jit3A_1052 = arith.constant 4 : i32
        %div3A_1053 = arith.divsi %add3A_1051, %jit3A_1052 : i32
        %sign3A_1054 = arith.constant 0 : i32
        %sign3A_1055 = arith.cmpi sgt, %add3A_1051, %sign3A_1054 : i32
        %sign3A_1056 = arith.extui %sign3A_1055 : i1 to i32
        %sign3A_1057 = arith.constant 0 : i32
        %sign3A_1058 = arith.cmpi slt, %add3A_1051, %sign3A_1057 : i32
        %sign3A_1059 = arith.extui %sign3A_1058 : i1 to i32
        %sign3A_1060 = arith.subi %sign3A_1056, %sign3A_1059 : i32
        %sign3A_1061 = arith.constant 0 : i32
        %sign3A_1062 = arith.cmpi sgt, %jit3A_1052, %sign3A_1061 : i32
        %sign3A_1063 = arith.extui %sign3A_1062 : i1 to i32
        %sign3A_1064 = arith.constant 0 : i32
        %sign3A_1065 = arith.cmpi slt, %jit3A_1052, %sign3A_1064 : i32
        %sign3A_1066 = arith.extui %sign3A_1065 : i1 to i32
        %sign3A_1067 = arith.subi %sign3A_1063, %sign3A_1066 : i32
        %ne3A_1068 = arith.cmpi ne, %sign3A_1060, %sign3A_1067 : i32
        %rem3A_1069 = arith.remsi %add3A_1051, %jit3A_1052 : i32
        %ne3A_1070 = arith.constant 0 : i32
        %ne3A_1071 = arith.cmpi ne, %rem3A_1069, %ne3A_1070 : i32
        %and3A_1072 = arith.andi %ne3A_1068, %ne3A_1071 : i1
        %sub3A_1073 = arith.constant 1 : i32
        %sub3A_1074 = arith.subi %div3A_1053, %sub3A_1073 : i32
        %select_n3A_1075 = arith.select %and3A_1072, %sub3A_1074, %div3A_1053 : i32
        %mul3A_1076 = arith.constant 128 : i32
        %mul3A_1077 = arith.muli %select_n3A_1075, %mul3A_1076 : i32
        %dma_start3A_1078 = arith.constant 1 : i32
        %dma_start3A_1079 = arith.constant 1 : i32
        %dma_start3A_1080 = arith.constant 0 : i32
        %dma_start3A_1081 = arith.constant 0 : i32
        %dma_start3A_1082 = tpu.memref_slice %arg9[%dma_start3A_1079, %dma_start3A_1080, %dma_start3A_1081] : memref<8x128x32xf32, #tpu.memory_space<vmem>> -> memref<1x128x32xf32, #tpu.memory_space<vmem>>
        %dma_start3A_1083 = tpu.memref_squeeze %dma_start3A_1082 : memref<1x128x32xf32, #tpu.memory_space<vmem>> -> memref<128x32xf32, #tpu.memory_space<vmem>>
        %dma_start3A_1084 = tpu.memref_slice %arg6[%mul3A_1077] : memref<6400xi32, #tpu.memory_space<vmem>> -> memref<128xi32, #tpu.memory_space<vmem>>
        %dma_start3A_1085 = arith.constant 0 : i32
        %dma_start3A_1086 = arith.constant 0 : i32
        %dma_start3A_1087 = tpu.memref_slice %arg10[%dma_start3A_1078, %dma_start3A_1085, %dma_start3A_1086] : memref<4x1000x32xf32, #tpu.memory_space<vmem_shared>> -> memref<1x1000x32xf32, #tpu.memory_space<vmem_shared>>
        %dma_start3A_1088 = tpu.memref_squeeze %dma_start3A_1087 : memref<1x1000x32xf32, #tpu.memory_space<vmem_shared>> -> memref<1000x32xf32, #tpu.memory_space<vmem_shared>>
        %dma_start3A_1089 = arith.constant 0 : i32
        %dma_start3A_1090 = arith.constant 0 : i32
        %dma_start3A_1091 = tpu.memref_slice %dma_start3A_1088[%dma_start3A_1089, %dma_start3A_1090] : memref<1000x32xf32, #tpu.memory_space<vmem_shared>> -> memref<1000x32xf32, #tpu.memory_space<vmem_shared>>
        tpu.enqueue_indirect_dma source(%dma_start3A_1091 : memref<1000x32xf32, #tpu.memory_space<vmem_shared>>) target(%dma_start3A_1083 : memref<128x32xf32, #tpu.memory_space<vmem>>) offsets(%dma_start3A_1084 : memref<128xi32, #tpu.memory_space<vmem>>) semaphore(%arg12 : memref<!tpu.dma_semaphore, #tpu.memory_space<semaphore_mem>>)
      } else {
      }
      %add3A_488 = arith.constant 2 : i32
      %add3A_489 = arith.addi %mul3A_322, %add3A_488 : i32
      %jit3A_490 = arith.constant 4 : i32
      %div3A_491 = arith.divsi %add3A_489, %jit3A_490 : i32
      %sign3A_492 = arith.constant 0 : i32
      %sign3A_493 = arith.cmpi sgt, %add3A_489, %sign3A_492 : i32
      %sign3A_494 = arith.extui %sign3A_493 : i1 to i32
      %sign3A_495 = arith.constant 0 : i32
      %sign3A_496 = arith.cmpi slt, %add3A_489, %sign3A_495 : i32
      %sign3A_497 = arith.extui %sign3A_496 : i1 to i32
      %sign3A_498 = arith.subi %sign3A_494, %sign3A_497 : i32
      %sign3A_499 = arith.constant 0 : i32
      %sign3A_500 = arith.cmpi sgt, %jit3A_490, %sign3A_499 : i32
      %sign3A_501 = arith.extui %sign3A_500 : i1 to i32
      %sign3A_502 = arith.constant 0 : i32
      %sign3A_503 = arith.cmpi slt, %jit3A_490, %sign3A_502 : i32
      %sign3A_504 = arith.extui %sign3A_503 : i1 to i32
      %sign3A_505 = arith.subi %sign3A_501, %sign3A_504 : i32
      %ne3A_506 = arith.cmpi ne, %sign3A_498, %sign3A_505 : i32
      %rem3A_507 = arith.remsi %add3A_489, %jit3A_490 : i32
      %ne3A_508 = arith.constant 0 : i32
      %ne3A_509 = arith.cmpi ne, %rem3A_507, %ne3A_508 : i32
      %and3A_510 = arith.andi %ne3A_506, %ne3A_509 : i1
      %sub3A_511 = arith.constant 1 : i32
      %sub3A_512 = arith.subi %div3A_491, %sub3A_511 : i32
      %select_n3A_513 = arith.select %and3A_510, %sub3A_512, %div3A_491 : i32
      %mul3A_514 = arith.constant 128 : i32
      %mul3A_515 = arith.muli %select_n3A_513, %mul3A_514 : i32
      %dma_wait3A_516 = arith.constant 2 : i32
      %dma_wait3A_517 = arith.constant 2 : i32
      %dma_wait3A_518 = arith.constant 0 : i32
      %dma_wait3A_519 = arith.constant 0 : i32
      %dma_wait3A_520 = tpu.memref_slice %arg9[%dma_wait3A_517, %dma_wait3A_518, %dma_wait3A_519] : memref<8x128x32xf32, #tpu.memory_space<vmem>> -> memref<1x128x32xf32, #tpu.memory_space<vmem>>
      %dma_wait3A_521 = tpu.memref_squeeze %dma_wait3A_520 : memref<1x128x32xf32, #tpu.memory_space<vmem>> -> memref<128x32xf32, #tpu.memory_space<vmem>>
      %dma_wait3A_522 = tpu.memref_slice %arg7[%mul3A_515] : memref<6400xi32, #tpu.memory_space<vmem>> -> memref<128xi32, #tpu.memory_space<vmem>>
      %dma_wait3A_523 = arith.constant 0 : i32
      %dma_wait3A_524 = arith.constant 0 : i32
      %dma_wait3A_525 = tpu.memref_slice %arg10[%dma_wait3A_516, %dma_wait3A_523, %dma_wait3A_524] : memref<4x1000x32xf32, #tpu.memory_space<vmem_shared>> -> memref<1x1000x32xf32, #tpu.memory_space<vmem_shared>>
      %dma_wait3A_526 = tpu.memref_squeeze %dma_wait3A_525 : memref<1x1000x32xf32, #tpu.memory_space<vmem_shared>> -> memref<1000x32xf32, #tpu.memory_space<vmem_shared>>
      %dma_wait3A_527 = arith.constant 0 : i32
      %dma_wait3A_528 = arith.constant 0 : i32
      %dma_wait3A_529 = tpu.memref_slice %dma_wait3A_526[%dma_wait3A_527, %dma_wait3A_528] : memref<1000x32xf32, #tpu.memory_space<vmem_shared>> -> memref<1000x32xf32, #tpu.memory_space<vmem_shared>>
      tpu.wait_indirect_dma semaphore(%arg13 : memref<!tpu.dma_semaphore, #tpu.memory_space<semaphore_mem>>) src(%dma_wait3A_529 : memref<1000x32xf32, #tpu.memory_space<vmem_shared>>) dst(%dma_wait3A_521 : memref<128x32xf32, #tpu.memory_space<vmem>>)
      %jit3A_530 = arith.constant 4 : i32
      %div3A_531 = arith.divsi %add3A_489, %jit3A_530 : i32
      %sign3A_532 = arith.constant 0 : i32
      %sign3A_533 = arith.cmpi sgt, %add3A_489, %sign3A_532 : i32
      %sign3A_534 = arith.extui %sign3A_533 : i1 to i32
      %sign3A_535 = arith.constant 0 : i32
      %sign3A_536 = arith.cmpi slt, %add3A_489, %sign3A_535 : i32
      %sign3A_537 = arith.extui %sign3A_536 : i1 to i32
      %sign3A_538 = arith.subi %sign3A_534, %sign3A_537 : i32
      %sign3A_539 = arith.constant 0 : i32
      %sign3A_540 = arith.cmpi sgt, %jit3A_530, %sign3A_539 : i32
      %sign3A_541 = arith.extui %sign3A_540 : i1 to i32
      %sign3A_542 = arith.constant 0 : i32
      %sign3A_543 = arith.cmpi slt, %jit3A_530, %sign3A_542 : i32
      %sign3A_544 = arith.extui %sign3A_543 : i1 to i32
      %sign3A_545 = arith.subi %sign3A_541, %sign3A_544 : i32
      %ne3A_546 = arith.cmpi ne, %sign3A_538, %sign3A_545 : i32
      %rem3A_547 = arith.remsi %add3A_489, %jit3A_530 : i32
      %ne3A_548 = arith.constant 0 : i32
      %ne3A_549 = arith.cmpi ne, %rem3A_547, %ne3A_548 : i32
      %and3A_550 = arith.andi %ne3A_546, %ne3A_549 : i1
      %sub3A_551 = arith.constant 1 : i32
      %sub3A_552 = arith.subi %div3A_531, %sub3A_551 : i32
      %select_n3A_553 = arith.select %and3A_550, %sub3A_552, %div3A_531 : i32
      %mul3A_554 = arith.constant 128 : i32
      %mul3A_555 = arith.muli %select_n3A_553, %mul3A_554 : i32
      %add3A_556 = arith.addi %mul3A_2, %mul3A_555 : i32
      %dma_start3A_557 = arith.constant 2 : i32
      %dma_start3A_558 = arith.constant 0 : i32
      %dma_start3A_559 = arith.constant 0 : i32
      %dma_start3A_560 = tpu.memref_slice %arg9[%dma_start3A_557, %dma_start3A_558, %dma_start3A_559] : memref<8x128x32xf32, #tpu.memory_space<vmem>> -> memref<1x128x32xf32, #tpu.memory_space<vmem>>
      %dma_start3A_561 = tpu.memref_squeeze %dma_start3A_560 : memref<1x128x32xf32, #tpu.memory_space<vmem>> -> memref<128x32xf32, #tpu.memory_space<vmem>>
      %dma_start3A_562 = arith.constant 64 : i32
      %dma_start3A_563 = tpu.memref_slice %arg4[%add3A_556, %dma_start3A_562] : memref<204800x128xf32, #tpu.memory_space<hbm>> -> memref<128x32xf32, #tpu.memory_space<hbm>>
      %dma_start3A_564 = arith.constant 64 : i32
      %dma_start3A_565 = tpu.memref_slice %arg4[%add3A_556, %dma_start3A_564] : memref<204800x128xf32, #tpu.memory_space<hbm>> -> memref<128x32xf32, #tpu.memory_space<hbm>>
      %dma_start3A_566 = arith.constant 0 : i32
      %dma_start3A_567 = arith.constant 0 : i32
      %dma_start3A_568 = tpu.memref_slice %arg9[%dma_start3A_557, %dma_start3A_566, %dma_start3A_567] : memref<8x128x32xf32, #tpu.memory_space<vmem>> -> memref<1x128x32xf32, #tpu.memory_space<vmem>>
      %dma_start3A_569 = tpu.memref_squeeze %dma_start3A_568 : memref<1x128x32xf32, #tpu.memory_space<vmem>> -> memref<128x32xf32, #tpu.memory_space<vmem>>
      tpu.enqueue_dma source(%dma_start3A_569 : memref<128x32xf32, #tpu.memory_space<vmem>>) target(%dma_start3A_565 : memref<128x32xf32, #tpu.memory_space<hbm>>) target_semaphore(%arg21 : memref<!tpu.dma_semaphore, #tpu.memory_space<semaphore_mem>>)
      %lt3A_570 = arith.constant 24 : i32
      %lt3A_571 = arith.cmpi slt, %scan3A_320, %lt3A_570 : i32
      %convert_element_type3A_572 = arith.extui %lt3A_571 : i1 to i32
      %cond3A_573 = arith.constant 0 : i32
      %cond3A_574 = arith.cmpi ne, %convert_element_type3A_572, %cond3A_573 : i32
      scf.if %cond3A_574 {
        %jit3A_1010 = arith.constant 4 : i32
        %div3A_1011 = arith.divsi %add3A_489, %jit3A_1010 : i32
        %sign3A_1012 = arith.constant 0 : i32
        %sign3A_1013 = arith.cmpi sgt, %add3A_489, %sign3A_1012 : i32
        %sign3A_1014 = arith.extui %sign3A_1013 : i1 to i32
        %sign3A_1015 = arith.constant 0 : i32
        %sign3A_1016 = arith.cmpi slt, %add3A_489, %sign3A_1015 : i32
        %sign3A_1017 = arith.extui %sign3A_1016 : i1 to i32
        %sign3A_1018 = arith.subi %sign3A_1014, %sign3A_1017 : i32
        %sign3A_1019 = arith.constant 0 : i32
        %sign3A_1020 = arith.cmpi sgt, %jit3A_1010, %sign3A_1019 : i32
        %sign3A_1021 = arith.extui %sign3A_1020 : i1 to i32
        %sign3A_1022 = arith.constant 0 : i32
        %sign3A_1023 = arith.cmpi slt, %jit3A_1010, %sign3A_1022 : i32
        %sign3A_1024 = arith.extui %sign3A_1023 : i1 to i32
        %sign3A_1025 = arith.subi %sign3A_1021, %sign3A_1024 : i32
        %ne3A_1026 = arith.cmpi ne, %sign3A_1018, %sign3A_1025 : i32
        %rem3A_1027 = arith.remsi %add3A_489, %jit3A_1010 : i32
        %ne3A_1028 = arith.constant 0 : i32
        %ne3A_1029 = arith.cmpi ne, %rem3A_1027, %ne3A_1028 : i32
        %and3A_1030 = arith.andi %ne3A_1026, %ne3A_1029 : i1
        %sub3A_1031 = arith.constant 1 : i32
        %sub3A_1032 = arith.subi %div3A_1011, %sub3A_1031 : i32
        %select_n3A_1033 = arith.select %and3A_1030, %sub3A_1032, %div3A_1011 : i32
        %mul3A_1034 = arith.constant 128 : i32
        %mul3A_1035 = arith.muli %select_n3A_1033, %mul3A_1034 : i32
        %add3A_1036 = arith.addi %mul3A_2, %mul3A_1035 : i32
        %dma_wait3A_1037 = arith.constant 2 : i32
        %dma_wait3A_1038 = arith.constant 0 : i32
        %dma_wait3A_1039 = arith.constant 0 : i32
        %dma_wait3A_1040 = tpu.memref_slice %arg9[%dma_wait3A_1037, %dma_wait3A_1038, %dma_wait3A_1039] : memref<8x128x32xf32, #tpu.memory_space<vmem>> -> memref<1x128x32xf32, #tpu.memory_space<vmem>>
        %dma_wait3A_1041 = tpu.memref_squeeze %dma_wait3A_1040 : memref<1x128x32xf32, #tpu.memory_space<vmem>> -> memref<128x32xf32, #tpu.memory_space<vmem>>
        %dma_wait3A_1042 = arith.constant 64 : i32
        %dma_wait3A_1043 = tpu.memref_slice %arg4[%add3A_1036, %dma_wait3A_1042] : memref<204800x128xf32, #tpu.memory_space<hbm>> -> memref<128x32xf32, #tpu.memory_space<hbm>>
        %dma_wait3A_1044 = arith.constant 64 : i32
        %dma_wait3A_1045 = tpu.memref_slice %arg4[%add3A_1036, %dma_wait3A_1044] : memref<204800x128xf32, #tpu.memory_space<hbm>> -> memref<128x32xf32, #tpu.memory_space<hbm>>
        %dma_wait3A_1046 = arith.constant 0 : i32
        %dma_wait3A_1047 = arith.constant 0 : i32
        %dma_wait3A_1048 = tpu.memref_slice %arg9[%dma_wait3A_1037, %dma_wait3A_1046, %dma_wait3A_1047] : memref<8x128x32xf32, #tpu.memory_space<vmem>> -> memref<1x128x32xf32, #tpu.memory_space<vmem>>
        %dma_wait3A_1049 = tpu.memref_squeeze %dma_wait3A_1048 : memref<1x128x32xf32, #tpu.memory_space<vmem>> -> memref<128x32xf32, #tpu.memory_space<vmem>>
        tpu.wait_dma2 semaphore(%arg21 : memref<!tpu.dma_semaphore, #tpu.memory_space<semaphore_mem>>) src(%dma_wait3A_1049 : memref<128x32xf32, #tpu.memory_space<vmem>>) dst(%dma_wait3A_1045 : memref<128x32xf32, #tpu.memory_space<hbm>>)
        %add3A_1050 = arith.constant 8 : i32
        %add3A_1051 = arith.addi %add3A_489, %add3A_1050 : i32
        %jit3A_1052 = arith.constant 4 : i32
        %div3A_1053 = arith.divsi %add3A_1051, %jit3A_1052 : i32
        %sign3A_1054 = arith.constant 0 : i32
        %sign3A_1055 = arith.cmpi sgt, %add3A_1051, %sign3A_1054 : i32
        %sign3A_1056 = arith.extui %sign3A_1055 : i1 to i32
        %sign3A_1057 = arith.constant 0 : i32
        %sign3A_1058 = arith.cmpi slt, %add3A_1051, %sign3A_1057 : i32
        %sign3A_1059 = arith.extui %sign3A_1058 : i1 to i32
        %sign3A_1060 = arith.subi %sign3A_1056, %sign3A_1059 : i32
        %sign3A_1061 = arith.constant 0 : i32
        %sign3A_1062 = arith.cmpi sgt, %jit3A_1052, %sign3A_1061 : i32
        %sign3A_1063 = arith.extui %sign3A_1062 : i1 to i32
        %sign3A_1064 = arith.constant 0 : i32
        %sign3A_1065 = arith.cmpi slt, %jit3A_1052, %sign3A_1064 : i32
        %sign3A_1066 = arith.extui %sign3A_1065 : i1 to i32
        %sign3A_1067 = arith.subi %sign3A_1063, %sign3A_1066 : i32
        %ne3A_1068 = arith.cmpi ne, %sign3A_1060, %sign3A_1067 : i32
        %rem3A_1069 = arith.remsi %add3A_1051, %jit3A_1052 : i32
        %ne3A_1070 = arith.constant 0 : i32
        %ne3A_1071 = arith.cmpi ne, %rem3A_1069, %ne3A_1070 : i32
        %and3A_1072 = arith.andi %ne3A_1068, %ne3A_1071 : i1
        %sub3A_1073 = arith.constant 1 : i32
        %sub3A_1074 = arith.subi %div3A_1053, %sub3A_1073 : i32
        %select_n3A_1075 = arith.select %and3A_1072, %sub3A_1074, %div3A_1053 : i32
        %mul3A_1076 = arith.constant 128 : i32
        %mul3A_1077 = arith.muli %select_n3A_1075, %mul3A_1076 : i32
        %dma_start3A_1078 = arith.constant 2 : i32
        %dma_start3A_1079 = arith.constant 2 : i32
        %dma_start3A_1080 = arith.constant 0 : i32
        %dma_start3A_1081 = arith.constant 0 : i32
        %dma_start3A_1082 = tpu.memref_slice %arg9[%dma_start3A_1079, %dma_start3A_1080, %dma_start3A_1081] : memref<8x128x32xf32, #tpu.memory_space<vmem>> -> memref<1x128x32xf32, #tpu.memory_space<vmem>>
        %dma_start3A_1083 = tpu.memref_squeeze %dma_start3A_1082 : memref<1x128x32xf32, #tpu.memory_space<vmem>> -> memref<128x32xf32, #tpu.memory_space<vmem>>
        %dma_start3A_1084 = tpu.memref_slice %arg7[%mul3A_1077] : memref<6400xi32, #tpu.memory_space<vmem>> -> memref<128xi32, #tpu.memory_space<vmem>>
        %dma_start3A_1085 = arith.constant 0 : i32
        %dma_start3A_1086 = arith.constant 0 : i32
        %dma_start3A_1087 = tpu.memref_slice %arg10[%dma_start3A_1078, %dma_start3A_1085, %dma_start3A_1086] : memref<4x1000x32xf32, #tpu.memory_space<vmem_shared>> -> memref<1x1000x32xf32, #tpu.memory_space<vmem_shared>>
        %dma_start3A_1088 = tpu.memref_squeeze %dma_start3A_1087 : memref<1x1000x32xf32, #tpu.memory_space<vmem_shared>> -> memref<1000x32xf32, #tpu.memory_space<vmem_shared>>
        %dma_start3A_1089 = arith.constant 0 : i32
        %dma_start3A_1090 = arith.constant 0 : i32
        %dma_start3A_1091 = tpu.memref_slice %dma_start3A_1088[%dma_start3A_1089, %dma_start3A_1090] : memref<1000x32xf32, #tpu.memory_space<vmem_shared>> -> memref<1000x32xf32, #tpu.memory_space<vmem_shared>>
        tpu.enqueue_indirect_dma source(%dma_start3A_1091 : memref<1000x32xf32, #tpu.memory_space<vmem_shared>>) target(%dma_start3A_1083 : memref<128x32xf32, #tpu.memory_space<vmem>>) offsets(%dma_start3A_1084 : memref<128xi32, #tpu.memory_space<vmem>>) semaphore(%arg13 : memref<!tpu.dma_semaphore, #tpu.memory_space<semaphore_mem>>)
      } else {
      }
      %add3A_575 = arith.constant 3 : i32
      %add3A_576 = arith.addi %mul3A_322, %add3A_575 : i32
      %jit3A_577 = arith.constant 4 : i32
      %div3A_578 = arith.divsi %add3A_576, %jit3A_577 : i32
      %sign3A_579 = arith.constant 0 : i32
      %sign3A_580 = arith.cmpi sgt, %add3A_576, %sign3A_579 : i32
      %sign3A_581 = arith.extui %sign3A_580 : i1 to i32
      %sign3A_582 = arith.constant 0 : i32
      %sign3A_583 = arith.cmpi slt, %add3A_576, %sign3A_582 : i32
      %sign3A_584 = arith.extui %sign3A_583 : i1 to i32
      %sign3A_585 = arith.subi %sign3A_581, %sign3A_584 : i32
      %sign3A_586 = arith.constant 0 : i32
      %sign3A_587 = arith.cmpi sgt, %jit3A_577, %sign3A_586 : i32
      %sign3A_588 = arith.extui %sign3A_587 : i1 to i32
      %sign3A_589 = arith.constant 0 : i32
      %sign3A_590 = arith.cmpi slt, %jit3A_577, %sign3A_589 : i32
      %sign3A_591 = arith.extui %sign3A_590 : i1 to i32
      %sign3A_592 = arith.subi %sign3A_588, %sign3A_591 : i32
      %ne3A_593 = arith.cmpi ne, %sign3A_585, %sign3A_592 : i32
      %rem3A_594 = arith.remsi %add3A_576, %jit3A_577 : i32
      %ne3A_595 = arith.constant 0 : i32
      %ne3A_596 = arith.cmpi ne, %rem3A_594, %ne3A_595 : i32
      %and3A_597 = arith.andi %ne3A_593, %ne3A_596 : i1
      %sub3A_598 = arith.constant 1 : i32
      %sub3A_599 = arith.subi %div3A_578, %sub3A_598 : i32
      %select_n3A_600 = arith.select %and3A_597, %sub3A_599, %div3A_578 : i32
      %mul3A_601 = arith.constant 128 : i32
      %mul3A_602 = arith.muli %select_n3A_600, %mul3A_601 : i32
      %dma_wait3A_603 = arith.constant 3 : i32
      %dma_wait3A_604 = arith.constant 3 : i32
      %dma_wait3A_605 = arith.constant 0 : i32
      %dma_wait3A_606 = arith.constant 0 : i32
      %dma_wait3A_607 = tpu.memref_slice %arg9[%dma_wait3A_604, %dma_wait3A_605, %dma_wait3A_606] : memref<8x128x32xf32, #tpu.memory_space<vmem>> -> memref<1x128x32xf32, #tpu.memory_space<vmem>>
      %dma_wait3A_608 = tpu.memref_squeeze %dma_wait3A_607 : memref<1x128x32xf32, #tpu.memory_space<vmem>> -> memref<128x32xf32, #tpu.memory_space<vmem>>
      %dma_wait3A_609 = tpu.memref_slice %arg8[%mul3A_602] : memref<6400xi32, #tpu.memory_space<vmem>> -> memref<128xi32, #tpu.memory_space<vmem>>
      %dma_wait3A_610 = arith.constant 0 : i32
      %dma_wait3A_611 = arith.constant 0 : i32
      %dma_wait3A_612 = tpu.memref_slice %arg10[%dma_wait3A_603, %dma_wait3A_610, %dma_wait3A_611] : memref<4x1000x32xf32, #tpu.memory_space<vmem_shared>> -> memref<1x1000x32xf32, #tpu.memory_space<vmem_shared>>
      %dma_wait3A_613 = tpu.memref_squeeze %dma_wait3A_612 : memref<1x1000x32xf32, #tpu.memory_space<vmem_shared>> -> memref<1000x32xf32, #tpu.memory_space<vmem_shared>>
      %dma_wait3A_614 = arith.constant 0 : i32
      %dma_wait3A_615 = arith.constant 0 : i32
      %dma_wait3A_616 = tpu.memref_slice %dma_wait3A_613[%dma_wait3A_614, %dma_wait3A_615] : memref<1000x32xf32, #tpu.memory_space<vmem_shared>> -> memref<1000x32xf32, #tpu.memory_space<vmem_shared>>
      tpu.wait_indirect_dma semaphore(%arg14 : memref<!tpu.dma_semaphore, #tpu.memory_space<semaphore_mem>>) src(%dma_wait3A_616 : memref<1000x32xf32, #tpu.memory_space<vmem_shared>>) dst(%dma_wait3A_608 : memref<128x32xf32, #tpu.memory_space<vmem>>)
      %jit3A_617 = arith.constant 4 : i32
      %div3A_618 = arith.divsi %add3A_576, %jit3A_617 : i32
      %sign3A_619 = arith.constant 0 : i32
      %sign3A_620 = arith.cmpi sgt, %add3A_576, %sign3A_619 : i32
      %sign3A_621 = arith.extui %sign3A_620 : i1 to i32
      %sign3A_622 = arith.constant 0 : i32
      %sign3A_623 = arith.cmpi slt, %add3A_576, %sign3A_622 : i32
      %sign3A_624 = arith.extui %sign3A_623 : i1 to i32
      %sign3A_625 = arith.subi %sign3A_621, %sign3A_624 : i32
      %sign3A_626 = arith.constant 0 : i32
      %sign3A_627 = arith.cmpi sgt, %jit3A_617, %sign3A_626 : i32
      %sign3A_628 = arith.extui %sign3A_627 : i1 to i32
      %sign3A_629 = arith.constant 0 : i32
      %sign3A_630 = arith.cmpi slt, %jit3A_617, %sign3A_629 : i32
      %sign3A_631 = arith.extui %sign3A_630 : i1 to i32
      %sign3A_632 = arith.subi %sign3A_628, %sign3A_631 : i32
      %ne3A_633 = arith.cmpi ne, %sign3A_625, %sign3A_632 : i32
      %rem3A_634 = arith.remsi %add3A_576, %jit3A_617 : i32
      %ne3A_635 = arith.constant 0 : i32
      %ne3A_636 = arith.cmpi ne, %rem3A_634, %ne3A_635 : i32
      %and3A_637 = arith.andi %ne3A_633, %ne3A_636 : i1
      %sub3A_638 = arith.constant 1 : i32
      %sub3A_639 = arith.subi %div3A_618, %sub3A_638 : i32
      %select_n3A_640 = arith.select %and3A_637, %sub3A_639, %div3A_618 : i32
      %mul3A_641 = arith.constant 128 : i32
      %mul3A_642 = arith.muli %select_n3A_640, %mul3A_641 : i32
      %add3A_643 = arith.addi %mul3A_2, %mul3A_642 : i32
      %dma_start3A_644 = arith.constant 3 : i32
      %dma_start3A_645 = arith.constant 0 : i32
      %dma_start3A_646 = arith.constant 0 : i32
      %dma_start3A_647 = tpu.memref_slice %arg9[%dma_start3A_644, %dma_start3A_645, %dma_start3A_646] : memref<8x128x32xf32, #tpu.memory_space<vmem>> -> memref<1x128x32xf32, #tpu.memory_space<vmem>>
      %dma_start3A_648 = tpu.memref_squeeze %dma_start3A_647 : memref<1x128x32xf32, #tpu.memory_space<vmem>> -> memref<128x32xf32, #tpu.memory_space<vmem>>
      %dma_start3A_649 = arith.constant 96 : i32
      %dma_start3A_650 = tpu.memref_slice %arg4[%add3A_643, %dma_start3A_649] : memref<204800x128xf32, #tpu.memory_space<hbm>> -> memref<128x32xf32, #tpu.memory_space<hbm>>
      %dma_start3A_651 = arith.constant 96 : i32
      %dma_start3A_652 = tpu.memref_slice %arg4[%add3A_643, %dma_start3A_651] : memref<204800x128xf32, #tpu.memory_space<hbm>> -> memref<128x32xf32, #tpu.memory_space<hbm>>
      %dma_start3A_653 = arith.constant 0 : i32
      %dma_start3A_654 = arith.constant 0 : i32
      %dma_start3A_655 = tpu.memref_slice %arg9[%dma_start3A_644, %dma_start3A_653, %dma_start3A_654] : memref<8x128x32xf32, #tpu.memory_space<vmem>> -> memref<1x128x32xf32, #tpu.memory_space<vmem>>
      %dma_start3A_656 = tpu.memref_squeeze %dma_start3A_655 : memref<1x128x32xf32, #tpu.memory_space<vmem>> -> memref<128x32xf32, #tpu.memory_space<vmem>>
      tpu.enqueue_dma source(%dma_start3A_656 : memref<128x32xf32, #tpu.memory_space<vmem>>) target(%dma_start3A_652 : memref<128x32xf32, #tpu.memory_space<hbm>>) target_semaphore(%arg22 : memref<!tpu.dma_semaphore, #tpu.memory_space<semaphore_mem>>)
      %lt3A_657 = arith.constant 24 : i32
      %lt3A_658 = arith.cmpi slt, %scan3A_320, %lt3A_657 : i32
      %convert_element_type3A_659 = arith.extui %lt3A_658 : i1 to i32
      %cond3A_660 = arith.constant 0 : i32
      %cond3A_661 = arith.cmpi ne, %convert_element_type3A_659, %cond3A_660 : i32
      scf.if %cond3A_661 {
        %jit3A_1010 = arith.constant 4 : i32
        %div3A_1011 = arith.divsi %add3A_576, %jit3A_1010 : i32
        %sign3A_1012 = arith.constant 0 : i32
        %sign3A_1013 = arith.cmpi sgt, %add3A_576, %sign3A_1012 : i32
        %sign3A_1014 = arith.extui %sign3A_1013 : i1 to i32
        %sign3A_1015 = arith.constant 0 : i32
        %sign3A_1016 = arith.cmpi slt, %add3A_576, %sign3A_1015 : i32
        %sign3A_1017 = arith.extui %sign3A_1016 : i1 to i32
        %sign3A_1018 = arith.subi %sign3A_1014, %sign3A_1017 : i32
        %sign3A_1019 = arith.constant 0 : i32
        %sign3A_1020 = arith.cmpi sgt, %jit3A_1010, %sign3A_1019 : i32
        %sign3A_1021 = arith.extui %sign3A_1020 : i1 to i32
        %sign3A_1022 = arith.constant 0 : i32
        %sign3A_1023 = arith.cmpi slt, %jit3A_1010, %sign3A_1022 : i32
        %sign3A_1024 = arith.extui %sign3A_1023 : i1 to i32
        %sign3A_1025 = arith.subi %sign3A_1021, %sign3A_1024 : i32
        %ne3A_1026 = arith.cmpi ne, %sign3A_1018, %sign3A_1025 : i32
        %rem3A_1027 = arith.remsi %add3A_576, %jit3A_1010 : i32
        %ne3A_1028 = arith.constant 0 : i32
        %ne3A_1029 = arith.cmpi ne, %rem3A_1027, %ne3A_1028 : i32
        %and3A_1030 = arith.andi %ne3A_1026, %ne3A_1029 : i1
        %sub3A_1031 = arith.constant 1 : i32
        %sub3A_1032 = arith.subi %div3A_1011, %sub3A_1031 : i32
        %select_n3A_1033 = arith.select %and3A_1030, %sub3A_1032, %div3A_1011 : i32
        %mul3A_1034 = arith.constant 128 : i32
        %mul3A_1035 = arith.muli %select_n3A_1033, %mul3A_1034 : i32
        %add3A_1036 = arith.addi %mul3A_2, %mul3A_1035 : i32
        %dma_wait3A_1037 = arith.constant 3 : i32
        %dma_wait3A_1038 = arith.constant 0 : i32
        %dma_wait3A_1039 = arith.constant 0 : i32
        %dma_wait3A_1040 = tpu.memref_slice %arg9[%dma_wait3A_1037, %dma_wait3A_1038, %dma_wait3A_1039] : memref<8x128x32xf32, #tpu.memory_space<vmem>> -> memref<1x128x32xf32, #tpu.memory_space<vmem>>
        %dma_wait3A_1041 = tpu.memref_squeeze %dma_wait3A_1040 : memref<1x128x32xf32, #tpu.memory_space<vmem>> -> memref<128x32xf32, #tpu.memory_space<vmem>>
        %dma_wait3A_1042 = arith.constant 96 : i32
        %dma_wait3A_1043 = tpu.memref_slice %arg4[%add3A_1036, %dma_wait3A_1042] : memref<204800x128xf32, #tpu.memory_space<hbm>> -> memref<128x32xf32, #tpu.memory_space<hbm>>
        %dma_wait3A_1044 = arith.constant 96 : i32
        %dma_wait3A_1045 = tpu.memref_slice %arg4[%add3A_1036, %dma_wait3A_1044] : memref<204800x128xf32, #tpu.memory_space<hbm>> -> memref<128x32xf32, #tpu.memory_space<hbm>>
        %dma_wait3A_1046 = arith.constant 0 : i32
        %dma_wait3A_1047 = arith.constant 0 : i32
        %dma_wait3A_1048 = tpu.memref_slice %arg9[%dma_wait3A_1037, %dma_wait3A_1046, %dma_wait3A_1047] : memref<8x128x32xf32, #tpu.memory_space<vmem>> -> memref<1x128x32xf32, #tpu.memory_space<vmem>>
        %dma_wait3A_1049 = tpu.memref_squeeze %dma_wait3A_1048 : memref<1x128x32xf32, #tpu.memory_space<vmem>> -> memref<128x32xf32, #tpu.memory_space<vmem>>
        tpu.wait_dma2 semaphore(%arg22 : memref<!tpu.dma_semaphore, #tpu.memory_space<semaphore_mem>>) src(%dma_wait3A_1049 : memref<128x32xf32, #tpu.memory_space<vmem>>) dst(%dma_wait3A_1045 : memref<128x32xf32, #tpu.memory_space<hbm>>)
        %add3A_1050 = arith.constant 8 : i32
        %add3A_1051 = arith.addi %add3A_576, %add3A_1050 : i32
        %jit3A_1052 = arith.constant 4 : i32
        %div3A_1053 = arith.divsi %add3A_1051, %jit3A_1052 : i32
        %sign3A_1054 = arith.constant 0 : i32
        %sign3A_1055 = arith.cmpi sgt, %add3A_1051, %sign3A_1054 : i32
        %sign3A_1056 = arith.extui %sign3A_1055 : i1 to i32
        %sign3A_1057 = arith.constant 0 : i32
        %sign3A_1058 = arith.cmpi slt, %add3A_1051, %sign3A_1057 : i32
        %sign3A_1059 = arith.extui %sign3A_1058 : i1 to i32
        %sign3A_1060 = arith.subi %sign3A_1056, %sign3A_1059 : i32
        %sign3A_1061 = arith.constant 0 : i32
        %sign3A_1062 = arith.cmpi sgt, %jit3A_1052, %sign3A_1061 : i32
        %sign3A_1063 = arith.extui %sign3A_1062 : i1 to i32
        %sign3A_1064 = arith.constant 0 : i32
        %sign3A_1065 = arith.cmpi slt, %jit3A_1052, %sign3A_1064 : i32
        %sign3A_1066 = arith.extui %sign3A_1065 : i1 to i32
        %sign3A_1067 = arith.subi %sign3A_1063, %sign3A_1066 : i32
        %ne3A_1068 = arith.cmpi ne, %sign3A_1060, %sign3A_1067 : i32
        %rem3A_1069 = arith.remsi %add3A_1051, %jit3A_1052 : i32
        %ne3A_1070 = arith.constant 0 : i32
        %ne3A_1071 = arith.cmpi ne, %rem3A_1069, %ne3A_1070 : i32
        %and3A_1072 = arith.andi %ne3A_1068, %ne3A_1071 : i1
        %sub3A_1073 = arith.constant 1 : i32
        %sub3A_1074 = arith.subi %div3A_1053, %sub3A_1073 : i32
        %select_n3A_1075 = arith.select %and3A_1072, %sub3A_1074, %div3A_1053 : i32
        %mul3A_1076 = arith.constant 128 : i32
        %mul3A_1077 = arith.muli %select_n3A_1075, %mul3A_1076 : i32
        %dma_start3A_1078 = arith.constant 3 : i32
        %dma_start3A_1079 = arith.constant 3 : i32
        %dma_start3A_1080 = arith.constant 0 : i32
        %dma_start3A_1081 = arith.constant 0 : i32
        %dma_start3A_1082 = tpu.memref_slice %arg9[%dma_start3A_1079, %dma_start3A_1080, %dma_start3A_1081] : memref<8x128x32xf32, #tpu.memory_space<vmem>> -> memref<1x128x32xf32, #tpu.memory_space<vmem>>
        %dma_start3A_1083 = tpu.memref_squeeze %dma_start3A_1082 : memref<1x128x32xf32, #tpu.memory_space<vmem>> -> memref<128x32xf32, #tpu.memory_space<vmem>>
        %dma_start3A_1084 = tpu.memref_slice %arg8[%mul3A_1077] : memref<6400xi32, #tpu.memory_space<vmem>> -> memref<128xi32, #tpu.memory_space<vmem>>
        %dma_start3A_1085 = arith.constant 0 : i32
        %dma_start3A_1086 = arith.constant 0 : i32
        %dma_start3A_1087 = tpu.memref_slice %arg10[%dma_start3A_1078, %dma_start3A_1085, %dma_start3A_1086] : memref<4x1000x32xf32, #tpu.memory_space<vmem_shared>> -> memref<1x1000x32xf32, #tpu.memory_space<vmem_shared>>
        %dma_start3A_1088 = tpu.memref_squeeze %dma_start3A_1087 : memref<1x1000x32xf32, #tpu.memory_space<vmem_shared>> -> memref<1000x32xf32, #tpu.memory_space<vmem_shared>>
        %dma_start3A_1089 = arith.constant 0 : i32
        %dma_start3A_1090 = arith.constant 0 : i32
        %dma_start3A_1091 = tpu.memref_slice %dma_start3A_1088[%dma_start3A_1089, %dma_start3A_1090] : memref<1000x32xf32, #tpu.memory_space<vmem_shared>> -> memref<1000x32xf32, #tpu.memory_space<vmem_shared>>
        tpu.enqueue_indirect_dma source(%dma_start3A_1091 : memref<1000x32xf32, #tpu.memory_space<vmem_shared>>) target(%dma_start3A_1083 : memref<128x32xf32, #tpu.memory_space<vmem>>) offsets(%dma_start3A_1084 : memref<128xi32, #tpu.memory_space<vmem>>) semaphore(%arg14 : memref<!tpu.dma_semaphore, #tpu.memory_space<semaphore_mem>>)
      } else {
      }
      %add3A_662 = arith.constant 4 : i32
      %add3A_663 = arith.addi %mul3A_322, %add3A_662 : i32
      %jit3A_664 = arith.constant 4 : i32
      %div3A_665 = arith.divsi %add3A_663, %jit3A_664 : i32
      %sign3A_666 = arith.constant 0 : i32
      %sign3A_667 = arith.cmpi sgt, %add3A_663, %sign3A_666 : i32
      %sign3A_668 = arith.extui %sign3A_667 : i1 to i32
      %sign3A_669 = arith.constant 0 : i32
      %sign3A_670 = arith.cmpi slt, %add3A_663, %sign3A_669 : i32
      %sign3A_671 = arith.extui %sign3A_670 : i1 to i32
      %sign3A_672 = arith.subi %sign3A_668, %sign3A_671 : i32
      %sign3A_673 = arith.constant 0 : i32
      %sign3A_674 = arith.cmpi sgt, %jit3A_664, %sign3A_673 : i32
      %sign3A_675 = arith.extui %sign3A_674 : i1 to i32
      %sign3A_676 = arith.constant 0 : i32
      %sign3A_677 = arith.cmpi slt, %jit3A_664, %sign3A_676 : i32
      %sign3A_678 = arith.extui %sign3A_677 : i1 to i32
      %sign3A_679 = arith.subi %sign3A_675, %sign3A_678 : i32
      %ne3A_680 = arith.cmpi ne, %sign3A_672, %sign3A_679 : i32
      %rem3A_681 = arith.remsi %add3A_663, %jit3A_664 : i32
      %ne3A_682 = arith.constant 0 : i32
      %ne3A_683 = arith.cmpi ne, %rem3A_681, %ne3A_682 : i32
      %and3A_684 = arith.andi %ne3A_680, %ne3A_683 : i1
      %sub3A_685 = arith.constant 1 : i32
      %sub3A_686 = arith.subi %div3A_665, %sub3A_685 : i32
      %select_n3A_687 = arith.select %and3A_684, %sub3A_686, %div3A_665 : i32
      %mul3A_688 = arith.constant 128 : i32
      %mul3A_689 = arith.muli %select_n3A_687, %mul3A_688 : i32
      %dma_wait3A_690 = arith.constant 0 : i32
      %dma_wait3A_691 = arith.constant 4 : i32
      %dma_wait3A_692 = arith.constant 0 : i32
      %dma_wait3A_693 = arith.constant 0 : i32
      %dma_wait3A_694 = tpu.memref_slice %arg9[%dma_wait3A_691, %dma_wait3A_692, %dma_wait3A_693] : memref<8x128x32xf32, #tpu.memory_space<vmem>> -> memref<1x128x32xf32, #tpu.memory_space<vmem>>
      %dma_wait3A_695 = tpu.memref_squeeze %dma_wait3A_694 : memref<1x128x32xf32, #tpu.memory_space<vmem>> -> memref<128x32xf32, #tpu.memory_space<vmem>>
      %dma_wait3A_696 = tpu.memref_slice %arg5[%mul3A_689] : memref<6400xi32, #tpu.memory_space<vmem>> -> memref<128xi32, #tpu.memory_space<vmem>>
      %dma_wait3A_697 = arith.constant 0 : i32
      %dma_wait3A_698 = arith.constant 0 : i32
      %dma_wait3A_699 = tpu.memref_slice %arg10[%dma_wait3A_690, %dma_wait3A_697, %dma_wait3A_698] : memref<4x1000x32xf32, #tpu.memory_space<vmem_shared>> -> memref<1x1000x32xf32, #tpu.memory_space<vmem_shared>>
      %dma_wait3A_700 = tpu.memref_squeeze %dma_wait3A_699 : memref<1x1000x32xf32, #tpu.memory_space<vmem_shared>> -> memref<1000x32xf32, #tpu.memory_space<vmem_shared>>
      %dma_wait3A_701 = arith.constant 0 : i32
      %dma_wait3A_702 = arith.constant 0 : i32
      %dma_wait3A_703 = tpu.memref_slice %dma_wait3A_700[%dma_wait3A_701, %dma_wait3A_702] : memref<1000x32xf32, #tpu.memory_space<vmem_shared>> -> memref<1000x32xf32, #tpu.memory_space<vmem_shared>>
      tpu.wait_indirect_dma semaphore(%arg15 : memref<!tpu.dma_semaphore, #tpu.memory_space<semaphore_mem>>) src(%dma_wait3A_703 : memref<1000x32xf32, #tpu.memory_space<vmem_shared>>) dst(%dma_wait3A_695 : memref<128x32xf32, #tpu.memory_space<vmem>>)
      %jit3A_704 = arith.constant 4 : i32
      %div3A_705 = arith.divsi %add3A_663, %jit3A_704 : i32
      %sign3A_706 = arith.constant 0 : i32
      %sign3A_707 = arith.cmpi sgt, %add3A_663, %sign3A_706 : i32
      %sign3A_708 = arith.extui %sign3A_707 : i1 to i32
      %sign3A_709 = arith.constant 0 : i32
      %sign3A_710 = arith.cmpi slt, %add3A_663, %sign3A_709 : i32
      %sign3A_711 = arith.extui %sign3A_710 : i1 to i32
      %sign3A_712 = arith.subi %sign3A_708, %sign3A_711 : i32
      %sign3A_713 = arith.constant 0 : i32
      %sign3A_714 = arith.cmpi sgt, %jit3A_704, %sign3A_713 : i32
      %sign3A_715 = arith.extui %sign3A_714 : i1 to i32
      %sign3A_716 = arith.constant 0 : i32
      %sign3A_717 = arith.cmpi slt, %jit3A_704, %sign3A_716 : i32
      %sign3A_718 = arith.extui %sign3A_717 : i1 to i32
      %sign3A_719 = arith.subi %sign3A_715, %sign3A_718 : i32
      %ne3A_720 = arith.cmpi ne, %sign3A_712, %sign3A_719 : i32
      %rem3A_721 = arith.remsi %add3A_663, %jit3A_704 : i32
      %ne3A_722 = arith.constant 0 : i32
      %ne3A_723 = arith.cmpi ne, %rem3A_721, %ne3A_722 : i32
      %and3A_724 = arith.andi %ne3A_720, %ne3A_723 : i1
      %sub3A_725 = arith.constant 1 : i32
      %sub3A_726 = arith.subi %div3A_705, %sub3A_725 : i32
      %select_n3A_727 = arith.select %and3A_724, %sub3A_726, %div3A_705 : i32
      %mul3A_728 = arith.constant 128 : i32
      %mul3A_729 = arith.muli %select_n3A_727, %mul3A_728 : i32
      %add3A_730 = arith.addi %mul3A_2, %mul3A_729 : i32
      %dma_start3A_731 = arith.constant 4 : i32
      %dma_start3A_732 = arith.constant 0 : i32
      %dma_start3A_733 = arith.constant 0 : i32
      %dma_start3A_734 = tpu.memref_slice %arg9[%dma_start3A_731, %dma_start3A_732, %dma_start3A_733] : memref<8x128x32xf32, #tpu.memory_space<vmem>> -> memref<1x128x32xf32, #tpu.memory_space<vmem>>
      %dma_start3A_735 = tpu.memref_squeeze %dma_start3A_734 : memref<1x128x32xf32, #tpu.memory_space<vmem>> -> memref<128x32xf32, #tpu.memory_space<vmem>>
      %dma_start3A_736 = arith.constant 0 : i32
      %dma_start3A_737 = tpu.memref_slice %arg4[%add3A_730, %dma_start3A_736] : memref<204800x128xf32, #tpu.memory_space<hbm>> -> memref<128x32xf32, #tpu.memory_space<hbm>>
      %dma_start3A_738 = arith.constant 0 : i32
      %dma_start3A_739 = tpu.memref_slice %arg4[%add3A_730, %dma_start3A_738] : memref<204800x128xf32, #tpu.memory_space<hbm>> -> memref<128x32xf32, #tpu.memory_space<hbm>>
      %dma_start3A_740 = arith.constant 0 : i32
      %dma_start3A_741 = arith.constant 0 : i32
      %dma_start3A_742 = tpu.memref_slice %arg9[%dma_start3A_731, %dma_start3A_740, %dma_start3A_741] : memref<8x128x32xf32, #tpu.memory_space<vmem>> -> memref<1x128x32xf32, #tpu.memory_space<vmem>>
      %dma_start3A_743 = tpu.memref_squeeze %dma_start3A_742 : memref<1x128x32xf32, #tpu.memory_space<vmem>> -> memref<128x32xf32, #tpu.memory_space<vmem>>
      tpu.enqueue_dma source(%dma_start3A_743 : memref<128x32xf32, #tpu.memory_space<vmem>>) target(%dma_start3A_739 : memref<128x32xf32, #tpu.memory_space<hbm>>) target_semaphore(%arg23 : memref<!tpu.dma_semaphore, #tpu.memory_space<semaphore_mem>>)
      %lt3A_744 = arith.constant 24 : i32
      %lt3A_745 = arith.cmpi slt, %scan3A_320, %lt3A_744 : i32
      %convert_element_type3A_746 = arith.extui %lt3A_745 : i1 to i32
      %cond3A_747 = arith.constant 0 : i32
      %cond3A_748 = arith.cmpi ne, %convert_element_type3A_746, %cond3A_747 : i32
      scf.if %cond3A_748 {
        %jit3A_1010 = arith.constant 4 : i32
        %div3A_1011 = arith.divsi %add3A_663, %jit3A_1010 : i32
        %sign3A_1012 = arith.constant 0 : i32
        %sign3A_1013 = arith.cmpi sgt, %add3A_663, %sign3A_1012 : i32
        %sign3A_1014 = arith.extui %sign3A_1013 : i1 to i32
        %sign3A_1015 = arith.constant 0 : i32
        %sign3A_1016 = arith.cmpi slt, %add3A_663, %sign3A_1015 : i32
        %sign3A_1017 = arith.extui %sign3A_1016 : i1 to i32
        %sign3A_1018 = arith.subi %sign3A_1014, %sign3A_1017 : i32
        %sign3A_1019 = arith.constant 0 : i32
        %sign3A_1020 = arith.cmpi sgt, %jit3A_1010, %sign3A_1019 : i32
        %sign3A_1021 = arith.extui %sign3A_1020 : i1 to i32
        %sign3A_1022 = arith.constant 0 : i32
        %sign3A_1023 = arith.cmpi slt, %jit3A_1010, %sign3A_1022 : i32
        %sign3A_1024 = arith.extui %sign3A_1023 : i1 to i32
        %sign3A_1025 = arith.subi %sign3A_1021, %sign3A_1024 : i32
        %ne3A_1026 = arith.cmpi ne, %sign3A_1018, %sign3A_1025 : i32
        %rem3A_1027 = arith.remsi %add3A_663, %jit3A_1010 : i32
        %ne3A_1028 = arith.constant 0 : i32
        %ne3A_1029 = arith.cmpi ne, %rem3A_1027, %ne3A_1028 : i32
        %and3A_1030 = arith.andi %ne3A_1026, %ne3A_1029 : i1
        %sub3A_1031 = arith.constant 1 : i32
        %sub3A_1032 = arith.subi %div3A_1011, %sub3A_1031 : i32
        %select_n3A_1033 = arith.select %and3A_1030, %sub3A_1032, %div3A_1011 : i32
        %mul3A_1034 = arith.constant 128 : i32
        %mul3A_1035 = arith.muli %select_n3A_1033, %mul3A_1034 : i32
        %add3A_1036 = arith.addi %mul3A_2, %mul3A_1035 : i32
        %dma_wait3A_1037 = arith.constant 4 : i32
        %dma_wait3A_1038 = arith.constant 0 : i32
        %dma_wait3A_1039 = arith.constant 0 : i32
        %dma_wait3A_1040 = tpu.memref_slice %arg9[%dma_wait3A_1037, %dma_wait3A_1038, %dma_wait3A_1039] : memref<8x128x32xf32, #tpu.memory_space<vmem>> -> memref<1x128x32xf32, #tpu.memory_space<vmem>>
        %dma_wait3A_1041 = tpu.memref_squeeze %dma_wait3A_1040 : memref<1x128x32xf32, #tpu.memory_space<vmem>> -> memref<128x32xf32, #tpu.memory_space<vmem>>
        %dma_wait3A_1042 = arith.constant 0 : i32
        %dma_wait3A_1043 = tpu.memref_slice %arg4[%add3A_1036, %dma_wait3A_1042] : memref<204800x128xf32, #tpu.memory_space<hbm>> -> memref<128x32xf32, #tpu.memory_space<hbm>>
        %dma_wait3A_1044 = arith.constant 0 : i32
        %dma_wait3A_1045 = tpu.memref_slice %arg4[%add3A_1036, %dma_wait3A_1044] : memref<204800x128xf32, #tpu.memory_space<hbm>> -> memref<128x32xf32, #tpu.memory_space<hbm>>
        %dma_wait3A_1046 = arith.constant 0 : i32
        %dma_wait3A_1047 = arith.constant 0 : i32
        %dma_wait3A_1048 = tpu.memref_slice %arg9[%dma_wait3A_1037, %dma_wait3A_1046, %dma_wait3A_1047] : memref<8x128x32xf32, #tpu.memory_space<vmem>> -> memref<1x128x32xf32, #tpu.memory_space<vmem>>
        %dma_wait3A_1049 = tpu.memref_squeeze %dma_wait3A_1048 : memref<1x128x32xf32, #tpu.memory_space<vmem>> -> memref<128x32xf32, #tpu.memory_space<vmem>>
        tpu.wait_dma2 semaphore(%arg23 : memref<!tpu.dma_semaphore, #tpu.memory_space<semaphore_mem>>) src(%dma_wait3A_1049 : memref<128x32xf32, #tpu.memory_space<vmem>>) dst(%dma_wait3A_1045 : memref<128x32xf32, #tpu.memory_space<hbm>>)
        %add3A_1050 = arith.constant 8 : i32
        %add3A_1051 = arith.addi %add3A_663, %add3A_1050 : i32
        %jit3A_1052 = arith.constant 4 : i32
        %div3A_1053 = arith.divsi %add3A_1051, %jit3A_1052 : i32
        %sign3A_1054 = arith.constant 0 : i32
        %sign3A_1055 = arith.cmpi sgt, %add3A_1051, %sign3A_1054 : i32
        %sign3A_1056 = arith.extui %sign3A_1055 : i1 to i32
        %sign3A_1057 = arith.constant 0 : i32
        %sign3A_1058 = arith.cmpi slt, %add3A_1051, %sign3A_1057 : i32
        %sign3A_1059 = arith.extui %sign3A_1058 : i1 to i32
        %sign3A_1060 = arith.subi %sign3A_1056, %sign3A_1059 : i32
        %sign3A_1061 = arith.constant 0 : i32
        %sign3A_1062 = arith.cmpi sgt, %jit3A_1052, %sign3A_1061 : i32
        %sign3A_1063 = arith.extui %sign3A_1062 : i1 to i32
        %sign3A_1064 = arith.constant 0 : i32
        %sign3A_1065 = arith.cmpi slt, %jit3A_1052, %sign3A_1064 : i32
        %sign3A_1066 = arith.extui %sign3A_1065 : i1 to i32
        %sign3A_1067 = arith.subi %sign3A_1063, %sign3A_1066 : i32
        %ne3A_1068 = arith.cmpi ne, %sign3A_1060, %sign3A_1067 : i32
        %rem3A_1069 = arith.remsi %add3A_1051, %jit3A_1052 : i32
        %ne3A_1070 = arith.constant 0 : i32
        %ne3A_1071 = arith.cmpi ne, %rem3A_1069, %ne3A_1070 : i32
        %and3A_1072 = arith.andi %ne3A_1068, %ne3A_1071 : i1
        %sub3A_1073 = arith.constant 1 : i32
        %sub3A_1074 = arith.subi %div3A_1053, %sub3A_1073 : i32
        %select_n3A_1075 = arith.select %and3A_1072, %sub3A_1074, %div3A_1053 : i32
        %mul3A_1076 = arith.constant 128 : i32
        %mul3A_1077 = arith.muli %select_n3A_1075, %mul3A_1076 : i32
        %dma_start3A_1078 = arith.constant 0 : i32
        %dma_start3A_1079 = arith.constant 4 : i32
        %dma_start3A_1080 = arith.constant 0 : i32
        %dma_start3A_1081 = arith.constant 0 : i32
        %dma_start3A_1082 = tpu.memref_slice %arg9[%dma_start3A_1079, %dma_start3A_1080, %dma_start3A_1081] : memref<8x128x32xf32, #tpu.memory_space<vmem>> -> memref<1x128x32xf32, #tpu.memory_space<vmem>>
        %dma_start3A_1083 = tpu.memref_squeeze %dma_start3A_1082 : memref<1x128x32xf32, #tpu.memory_space<vmem>> -> memref<128x32xf32, #tpu.memory_space<vmem>>
        %dma_start3A_1084 = tpu.memref_slice %arg5[%mul3A_1077] : memref<6400xi32, #tpu.memory_space<vmem>> -> memref<128xi32, #tpu.memory_space<vmem>>
        %dma_start3A_1085 = arith.constant 0 : i32
        %dma_start3A_1086 = arith.constant 0 : i32
        %dma_start3A_1087 = tpu.memref_slice %arg10[%dma_start3A_1078, %dma_start3A_1085, %dma_start3A_1086] : memref<4x1000x32xf32, #tpu.memory_space<vmem_shared>> -> memref<1x1000x32xf32, #tpu.memory_space<vmem_shared>>
        %dma_start3A_1088 = tpu.memref_squeeze %dma_start3A_1087 : memref<1x1000x32xf32, #tpu.memory_space<vmem_shared>> -> memref<1000x32xf32, #tpu.memory_space<vmem_shared>>
        %dma_start3A_1089 = arith.constant 0 : i32
        %dma_start3A_1090 = arith.constant 0 : i32
        %dma_start3A_1091 = tpu.memref_slice %dma_start3A_1088[%dma_start3A_1089, %dma_start3A_1090] : memref<1000x32xf32, #tpu.memory_space<vmem_shared>> -> memref<1000x32xf32, #tpu.memory_space<vmem_shared>>
        tpu.enqueue_indirect_dma source(%dma_start3A_1091 : memref<1000x32xf32, #tpu.memory_space<vmem_shared>>) target(%dma_start3A_1083 : memref<128x32xf32, #tpu.memory_space<vmem>>) offsets(%dma_start3A_1084 : memref<128xi32, #tpu.memory_space<vmem>>) semaphore(%arg15 : memref<!tpu.dma_semaphore, #tpu.memory_space<semaphore_mem>>)
      } else {
      }
      %add3A_749 = arith.constant 5 : i32
      %add3A_750 = arith.addi %mul3A_322, %add3A_749 : i32
      %jit3A_751 = arith.constant 4 : i32
      %div3A_752 = arith.divsi %add3A_750, %jit3A_751 : i32
      %sign3A_753 = arith.constant 0 : i32
      %sign3A_754 = arith.cmpi sgt, %add3A_750, %sign3A_753 : i32
      %sign3A_755 = arith.extui %sign3A_754 : i1 to i32
      %sign3A_756 = arith.constant 0 : i32
      %sign3A_757 = arith.cmpi slt, %add3A_750, %sign3A_756 : i32
      %sign3A_758 = arith.extui %sign3A_757 : i1 to i32
      %sign3A_759 = arith.subi %sign3A_755, %sign3A_758 : i32
      %sign3A_760 = arith.constant 0 : i32
      %sign3A_761 = arith.cmpi sgt, %jit3A_751, %sign3A_760 : i32
      %sign3A_762 = arith.extui %sign3A_761 : i1 to i32
      %sign3A_763 = arith.constant 0 : i32
      %sign3A_764 = arith.cmpi slt, %jit3A_751, %sign3A_763 : i32
      %sign3A_765 = arith.extui %sign3A_764 : i1 to i32
      %sign3A_766 = arith.subi %sign3A_762, %sign3A_765 : i32
      %ne3A_767 = arith.cmpi ne, %sign3A_759, %sign3A_766 : i32
      %rem3A_768 = arith.remsi %add3A_750, %jit3A_751 : i32
      %ne3A_769 = arith.constant 0 : i32
      %ne3A_770 = arith.cmpi ne, %rem3A_768, %ne3A_769 : i32
      %and3A_771 = arith.andi %ne3A_767, %ne3A_770 : i1
      %sub3A_772 = arith.constant 1 : i32
      %sub3A_773 = arith.subi %div3A_752, %sub3A_772 : i32
      %select_n3A_774 = arith.select %and3A_771, %sub3A_773, %div3A_752 : i32
      %mul3A_775 = arith.constant 128 : i32
      %mul3A_776 = arith.muli %select_n3A_774, %mul3A_775 : i32
      %dma_wait3A_777 = arith.constant 1 : i32
      %dma_wait3A_778 = arith.constant 5 : i32
      %dma_wait3A_779 = arith.constant 0 : i32
      %dma_wait3A_780 = arith.constant 0 : i32
      %dma_wait3A_781 = tpu.memref_slice %arg9[%dma_wait3A_778, %dma_wait3A_779, %dma_wait3A_780] : memref<8x128x32xf32, #tpu.memory_space<vmem>> -> memref<1x128x32xf32, #tpu.memory_space<vmem>>
      %dma_wait3A_782 = tpu.memref_squeeze %dma_wait3A_781 : memref<1x128x32xf32, #tpu.memory_space<vmem>> -> memref<128x32xf32, #tpu.memory_space<vmem>>
      %dma_wait3A_783 = tpu.memref_slice %arg6[%mul3A_776] : memref<6400xi32, #tpu.memory_space<vmem>> -> memref<128xi32, #tpu.memory_space<vmem>>
      %dma_wait3A_784 = arith.constant 0 : i32
      %dma_wait3A_785 = arith.constant 0 : i32
      %dma_wait3A_786 = tpu.memref_slice %arg10[%dma_wait3A_777, %dma_wait3A_784, %dma_wait3A_785] : memref<4x1000x32xf32, #tpu.memory_space<vmem_shared>> -> memref<1x1000x32xf32, #tpu.memory_space<vmem_shared>>
      %dma_wait3A_787 = tpu.memref_squeeze %dma_wait3A_786 : memref<1x1000x32xf32, #tpu.memory_space<vmem_shared>> -> memref<1000x32xf32, #tpu.memory_space<vmem_shared>>
      %dma_wait3A_788 = arith.constant 0 : i32
      %dma_wait3A_789 = arith.constant 0 : i32
      %dma_wait3A_790 = tpu.memref_slice %dma_wait3A_787[%dma_wait3A_788, %dma_wait3A_789] : memref<1000x32xf32, #tpu.memory_space<vmem_shared>> -> memref<1000x32xf32, #tpu.memory_space<vmem_shared>>
      tpu.wait_indirect_dma semaphore(%arg16 : memref<!tpu.dma_semaphore, #tpu.memory_space<semaphore_mem>>) src(%dma_wait3A_790 : memref<1000x32xf32, #tpu.memory_space<vmem_shared>>) dst(%dma_wait3A_782 : memref<128x32xf32, #tpu.memory_space<vmem>>)
      %jit3A_791 = arith.constant 4 : i32
      %div3A_792 = arith.divsi %add3A_750, %jit3A_791 : i32
      %sign3A_793 = arith.constant 0 : i32
      %sign3A_794 = arith.cmpi sgt, %add3A_750, %sign3A_793 : i32
      %sign3A_795 = arith.extui %sign3A_794 : i1 to i32
      %sign3A_796 = arith.constant 0 : i32
      %sign3A_797 = arith.cmpi slt, %add3A_750, %sign3A_796 : i32
      %sign3A_798 = arith.extui %sign3A_797 : i1 to i32
      %sign3A_799 = arith.subi %sign3A_795, %sign3A_798 : i32
      %sign3A_800 = arith.constant 0 : i32
      %sign3A_801 = arith.cmpi sgt, %jit3A_791, %sign3A_800 : i32
      %sign3A_802 = arith.extui %sign3A_801 : i1 to i32
      %sign3A_803 = arith.constant 0 : i32
      %sign3A_804 = arith.cmpi slt, %jit3A_791, %sign3A_803 : i32
      %sign3A_805 = arith.extui %sign3A_804 : i1 to i32
      %sign3A_806 = arith.subi %sign3A_802, %sign3A_805 : i32
      %ne3A_807 = arith.cmpi ne, %sign3A_799, %sign3A_806 : i32
      %rem3A_808 = arith.remsi %add3A_750, %jit3A_791 : i32
      %ne3A_809 = arith.constant 0 : i32
      %ne3A_810 = arith.cmpi ne, %rem3A_808, %ne3A_809 : i32
      %and3A_811 = arith.andi %ne3A_807, %ne3A_810 : i1
      %sub3A_812 = arith.constant 1 : i32
      %sub3A_813 = arith.subi %div3A_792, %sub3A_812 : i32
      %select_n3A_814 = arith.select %and3A_811, %sub3A_813, %div3A_792 : i32
      %mul3A_815 = arith.constant 128 : i32
      %mul3A_816 = arith.muli %select_n3A_814, %mul3A_815 : i32
      %add3A_817 = arith.addi %mul3A_2, %mul3A_816 : i32
      %dma_start3A_818 = arith.constant 5 : i32
      %dma_start3A_819 = arith.constant 0 : i32
      %dma_start3A_820 = arith.constant 0 : i32
      %dma_start3A_821 = tpu.memref_slice %arg9[%dma_start3A_818, %dma_start3A_819, %dma_start3A_820] : memref<8x128x32xf32, #tpu.memory_space<vmem>> -> memref<1x128x32xf32, #tpu.memory_space<vmem>>
      %dma_start3A_822 = tpu.memref_squeeze %dma_start3A_821 : memref<1x128x32xf32, #tpu.memory_space<vmem>> -> memref<128x32xf32, #tpu.memory_space<vmem>>
      %dma_start3A_823 = arith.constant 32 : i32
      %dma_start3A_824 = tpu.memref_slice %arg4[%add3A_817, %dma_start3A_823] : memref<204800x128xf32, #tpu.memory_space<hbm>> -> memref<128x32xf32, #tpu.memory_space<hbm>>
      %dma_start3A_825 = arith.constant 32 : i32
      %dma_start3A_826 = tpu.memref_slice %arg4[%add3A_817, %dma_start3A_825] : memref<204800x128xf32, #tpu.memory_space<hbm>> -> memref<128x32xf32, #tpu.memory_space<hbm>>
      %dma_start3A_827 = arith.constant 0 : i32
      %dma_start3A_828 = arith.constant 0 : i32
      %dma_start3A_829 = tpu.memref_slice %arg9[%dma_start3A_818, %dma_start3A_827, %dma_start3A_828] : memref<8x128x32xf32, #tpu.memory_space<vmem>> -> memref<1x128x32xf32, #tpu.memory_space<vmem>>
      %dma_start3A_830 = tpu.memref_squeeze %dma_start3A_829 : memref<1x128x32xf32, #tpu.memory_space<vmem>> -> memref<128x32xf32, #tpu.memory_space<vmem>>
      tpu.enqueue_dma source(%dma_start3A_830 : memref<128x32xf32, #tpu.memory_space<vmem>>) target(%dma_start3A_826 : memref<128x32xf32, #tpu.memory_space<hbm>>) target_semaphore(%arg24 : memref<!tpu.dma_semaphore, #tpu.memory_space<semaphore_mem>>)
      %lt3A_831 = arith.constant 24 : i32
      %lt3A_832 = arith.cmpi slt, %scan3A_320, %lt3A_831 : i32
      %convert_element_type3A_833 = arith.extui %lt3A_832 : i1 to i32
      %cond3A_834 = arith.constant 0 : i32
      %cond3A_835 = arith.cmpi ne, %convert_element_type3A_833, %cond3A_834 : i32
      scf.if %cond3A_835 {
        %jit3A_1010 = arith.constant 4 : i32
        %div3A_1011 = arith.divsi %add3A_750, %jit3A_1010 : i32
        %sign3A_1012 = arith.constant 0 : i32
        %sign3A_1013 = arith.cmpi sgt, %add3A_750, %sign3A_1012 : i32
        %sign3A_1014 = arith.extui %sign3A_1013 : i1 to i32
        %sign3A_1015 = arith.constant 0 : i32
        %sign3A_1016 = arith.cmpi slt, %add3A_750, %sign3A_1015 : i32
        %sign3A_1017 = arith.extui %sign3A_1016 : i1 to i32
        %sign3A_1018 = arith.subi %sign3A_1014, %sign3A_1017 : i32
        %sign3A_1019 = arith.constant 0 : i32
        %sign3A_1020 = arith.cmpi sgt, %jit3A_1010, %sign3A_1019 : i32
        %sign3A_1021 = arith.extui %sign3A_1020 : i1 to i32
        %sign3A_1022 = arith.constant 0 : i32
        %sign3A_1023 = arith.cmpi slt, %jit3A_1010, %sign3A_1022 : i32
        %sign3A_1024 = arith.extui %sign3A_1023 : i1 to i32
        %sign3A_1025 = arith.subi %sign3A_1021, %sign3A_1024 : i32
        %ne3A_1026 = arith.cmpi ne, %sign3A_1018, %sign3A_1025 : i32
        %rem3A_1027 = arith.remsi %add3A_750, %jit3A_1010 : i32
        %ne3A_1028 = arith.constant 0 : i32
        %ne3A_1029 = arith.cmpi ne, %rem3A_1027, %ne3A_1028 : i32
        %and3A_1030 = arith.andi %ne3A_1026, %ne3A_1029 : i1
        %sub3A_1031 = arith.constant 1 : i32
        %sub3A_1032 = arith.subi %div3A_1011, %sub3A_1031 : i32
        %select_n3A_1033 = arith.select %and3A_1030, %sub3A_1032, %div3A_1011 : i32
        %mul3A_1034 = arith.constant 128 : i32
        %mul3A_1035 = arith.muli %select_n3A_1033, %mul3A_1034 : i32
        %add3A_1036 = arith.addi %mul3A_2, %mul3A_1035 : i32
        %dma_wait3A_1037 = arith.constant 5 : i32
        %dma_wait3A_1038 = arith.constant 0 : i32
        %dma_wait3A_1039 = arith.constant 0 : i32
        %dma_wait3A_1040 = tpu.memref_slice %arg9[%dma_wait3A_1037, %dma_wait3A_1038, %dma_wait3A_1039] : memref<8x128x32xf32, #tpu.memory_space<vmem>> -> memref<1x128x32xf32, #tpu.memory_space<vmem>>
        %dma_wait3A_1041 = tpu.memref_squeeze %dma_wait3A_1040 : memref<1x128x32xf32, #tpu.memory_space<vmem>> -> memref<128x32xf32, #tpu.memory_space<vmem>>
        %dma_wait3A_1042 = arith.constant 32 : i32
        %dma_wait3A_1043 = tpu.memref_slice %arg4[%add3A_1036, %dma_wait3A_1042] : memref<204800x128xf32, #tpu.memory_space<hbm>> -> memref<128x32xf32, #tpu.memory_space<hbm>>
        %dma_wait3A_1044 = arith.constant 32 : i32
        %dma_wait3A_1045 = tpu.memref_slice %arg4[%add3A_1036, %dma_wait3A_1044] : memref<204800x128xf32, #tpu.memory_space<hbm>> -> memref<128x32xf32, #tpu.memory_space<hbm>>
        %dma_wait3A_1046 = arith.constant 0 : i32
        %dma_wait3A_1047 = arith.constant 0 : i32
        %dma_wait3A_1048 = tpu.memref_slice %arg9[%dma_wait3A_1037, %dma_wait3A_1046, %dma_wait3A_1047] : memref<8x128x32xf32, #tpu.memory_space<vmem>> -> memref<1x128x32xf32, #tpu.memory_space<vmem>>
        %dma_wait3A_1049 = tpu.memref_squeeze %dma_wait3A_1048 : memref<1x128x32xf32, #tpu.memory_space<vmem>> -> memref<128x32xf32, #tpu.memory_space<vmem>>
        tpu.wait_dma2 semaphore(%arg24 : memref<!tpu.dma_semaphore, #tpu.memory_space<semaphore_mem>>) src(%dma_wait3A_1049 : memref<128x32xf32, #tpu.memory_space<vmem>>) dst(%dma_wait3A_1045 : memref<128x32xf32, #tpu.memory_space<hbm>>)
        %add3A_1050 = arith.constant 8 : i32
        %add3A_1051 = arith.addi %add3A_750, %add3A_1050 : i32
        %jit3A_1052 = arith.constant 4 : i32
        %div3A_1053 = arith.divsi %add3A_1051, %jit3A_1052 : i32
        %sign3A_1054 = arith.constant 0 : i32
        %sign3A_1055 = arith.cmpi sgt, %add3A_1051, %sign3A_1054 : i32
        %sign3A_1056 = arith.extui %sign3A_1055 : i1 to i32
        %sign3A_1057 = arith.constant 0 : i32
        %sign3A_1058 = arith.cmpi slt, %add3A_1051, %sign3A_1057 : i32
        %sign3A_1059 = arith.extui %sign3A_1058 : i1 to i32
        %sign3A_1060 = arith.subi %sign3A_1056, %sign3A_1059 : i32
        %sign3A_1061 = arith.constant 0 : i32
        %sign3A_1062 = arith.cmpi sgt, %jit3A_1052, %sign3A_1061 : i32
        %sign3A_1063 = arith.extui %sign3A_1062 : i1 to i32
        %sign3A_1064 = arith.constant 0 : i32
        %sign3A_1065 = arith.cmpi slt, %jit3A_1052, %sign3A_1064 : i32
        %sign3A_1066 = arith.extui %sign3A_1065 : i1 to i32
        %sign3A_1067 = arith.subi %sign3A_1063, %sign3A_1066 : i32
        %ne3A_1068 = arith.cmpi ne, %sign3A_1060, %sign3A_1067 : i32
        %rem3A_1069 = arith.remsi %add3A_1051, %jit3A_1052 : i32
        %ne3A_1070 = arith.constant 0 : i32
        %ne3A_1071 = arith.cmpi ne, %rem3A_1069, %ne3A_1070 : i32
        %and3A_1072 = arith.andi %ne3A_1068, %ne3A_1071 : i1
        %sub3A_1073 = arith.constant 1 : i32
        %sub3A_1074 = arith.subi %div3A_1053, %sub3A_1073 : i32
        %select_n3A_1075 = arith.select %and3A_1072, %sub3A_1074, %div3A_1053 : i32
        %mul3A_1076 = arith.constant 128 : i32
        %mul3A_1077 = arith.muli %select_n3A_1075, %mul3A_1076 : i32
        %dma_start3A_1078 = arith.constant 1 : i32
        %dma_start3A_1079 = arith.constant 5 : i32
        %dma_start3A_1080 = arith.constant 0 : i32
        %dma_start3A_1081 = arith.constant 0 : i32
        %dma_start3A_1082 = tpu.memref_slice %arg9[%dma_start3A_1079, %dma_start3A_1080, %dma_start3A_1081] : memref<8x128x32xf32, #tpu.memory_space<vmem>> -> memref<1x128x32xf32, #tpu.memory_space<vmem>>
        %dma_start3A_1083 = tpu.memref_squeeze %dma_start3A_1082 : memref<1x128x32xf32, #tpu.memory_space<vmem>> -> memref<128x32xf32, #tpu.memory_space<vmem>>
        %dma_start3A_1084 = tpu.memref_slice %arg6[%mul3A_1077] : memref<6400xi32, #tpu.memory_space<vmem>> -> memref<128xi32, #tpu.memory_space<vmem>>
        %dma_start3A_1085 = arith.constant 0 : i32
        %dma_start3A_1086 = arith.constant 0 : i32
        %dma_start3A_1087 = tpu.memref_slice %arg10[%dma_start3A_1078, %dma_start3A_1085, %dma_start3A_1086] : memref<4x1000x32xf32, #tpu.memory_space<vmem_shared>> -> memref<1x1000x32xf32, #tpu.memory_space<vmem_shared>>
        %dma_start3A_1088 = tpu.memref_squeeze %dma_start3A_1087 : memref<1x1000x32xf32, #tpu.memory_space<vmem_shared>> -> memref<1000x32xf32, #tpu.memory_space<vmem_shared>>
        %dma_start3A_1089 = arith.constant 0 : i32
        %dma_start3A_1090 = arith.constant 0 : i32
        %dma_start3A_1091 = tpu.memref_slice %dma_start3A_1088[%dma_start3A_1089, %dma_start3A_1090] : memref<1000x32xf32, #tpu.memory_space<vmem_shared>> -> memref<1000x32xf32, #tpu.memory_space<vmem_shared>>
        tpu.enqueue_indirect_dma source(%dma_start3A_1091 : memref<1000x32xf32, #tpu.memory_space<vmem_shared>>) target(%dma_start3A_1083 : memref<128x32xf32, #tpu.memory_space<vmem>>) offsets(%dma_start3A_1084 : memref<128xi32, #tpu.memory_space<vmem>>) semaphore(%arg16 : memref<!tpu.dma_semaphore, #tpu.memory_space<semaphore_mem>>)
      } else {
      }
      %add3A_836 = arith.constant 6 : i32
      %add3A_837 = arith.addi %mul3A_322, %add3A_836 : i32
      %jit3A_838 = arith.constant 4 : i32
      %div3A_839 = arith.divsi %add3A_837, %jit3A_838 : i32
      %sign3A_840 = arith.constant 0 : i32
      %sign3A_841 = arith.cmpi sgt, %add3A_837, %sign3A_840 : i32
      %sign3A_842 = arith.extui %sign3A_841 : i1 to i32
      %sign3A_843 = arith.constant 0 : i32
      %sign3A_844 = arith.cmpi slt, %add3A_837, %sign3A_843 : i32
      %sign3A_845 = arith.extui %sign3A_844 : i1 to i32
      %sign3A_846 = arith.subi %sign3A_842, %sign3A_845 : i32
      %sign3A_847 = arith.constant 0 : i32
      %sign3A_848 = arith.cmpi sgt, %jit3A_838, %sign3A_847 : i32
      %sign3A_849 = arith.extui %sign3A_848 : i1 to i32
      %sign3A_850 = arith.constant 0 : i32
      %sign3A_851 = arith.cmpi slt, %jit3A_838, %sign3A_850 : i32
      %sign3A_852 = arith.extui %sign3A_851 : i1 to i32
      %sign3A_853 = arith.subi %sign3A_849, %sign3A_852 : i32
      %ne3A_854 = arith.cmpi ne, %sign3A_846, %sign3A_853 : i32
      %rem3A_855 = arith.remsi %add3A_837, %jit3A_838 : i32
      %ne3A_856 = arith.constant 0 : i32
      %ne3A_857 = arith.cmpi ne, %rem3A_855, %ne3A_856 : i32
      %and3A_858 = arith.andi %ne3A_854, %ne3A_857 : i1
      %sub3A_859 = arith.constant 1 : i32
      %sub3A_860 = arith.subi %div3A_839, %sub3A_859 : i32
      %select_n3A_861 = arith.select %and3A_858, %sub3A_860, %div3A_839 : i32
      %mul3A_862 = arith.constant 128 : i32
      %mul3A_863 = arith.muli %select_n3A_861, %mul3A_862 : i32
      %dma_wait3A_864 = arith.constant 2 : i32
      %dma_wait3A_865 = arith.constant 6 : i32
      %dma_wait3A_866 = arith.constant 0 : i32
      %dma_wait3A_867 = arith.constant 0 : i32
      %dma_wait3A_868 = tpu.memref_slice %arg9[%dma_wait3A_865, %dma_wait3A_866, %dma_wait3A_867] : memref<8x128x32xf32, #tpu.memory_space<vmem>> -> memref<1x128x32xf32, #tpu.memory_space<vmem>>
      %dma_wait3A_869 = tpu.memref_squeeze %dma_wait3A_868 : memref<1x128x32xf32, #tpu.memory_space<vmem>> -> memref<128x32xf32, #tpu.memory_space<vmem>>
      %dma_wait3A_870 = tpu.memref_slice %arg7[%mul3A_863] : memref<6400xi32, #tpu.memory_space<vmem>> -> memref<128xi32, #tpu.memory_space<vmem>>
      %dma_wait3A_871 = arith.constant 0 : i32
      %dma_wait3A_872 = arith.constant 0 : i32
      %dma_wait3A_873 = tpu.memref_slice %arg10[%dma_wait3A_864, %dma_wait3A_871, %dma_wait3A_872] : memref<4x1000x32xf32, #tpu.memory_space<vmem_shared>> -> memref<1x1000x32xf32, #tpu.memory_space<vmem_shared>>
      %dma_wait3A_874 = tpu.memref_squeeze %dma_wait3A_873 : memref<1x1000x32xf32, #tpu.memory_space<vmem_shared>> -> memref<1000x32xf32, #tpu.memory_space<vmem_shared>>
      %dma_wait3A_875 = arith.constant 0 : i32
      %dma_wait3A_876 = arith.constant 0 : i32
      %dma_wait3A_877 = tpu.memref_slice %dma_wait3A_874[%dma_wait3A_875, %dma_wait3A_876] : memref<1000x32xf32, #tpu.memory_space<vmem_shared>> -> memref<1000x32xf32, #tpu.memory_space<vmem_shared>>
      tpu.wait_indirect_dma semaphore(%arg17 : memref<!tpu.dma_semaphore, #tpu.memory_space<semaphore_mem>>) src(%dma_wait3A_877 : memref<1000x32xf32, #tpu.memory_space<vmem_shared>>) dst(%dma_wait3A_869 : memref<128x32xf32, #tpu.memory_space<vmem>>)
      %jit3A_878 = arith.constant 4 : i32
      %div3A_879 = arith.divsi %add3A_837, %jit3A_878 : i32
      %sign3A_880 = arith.constant 0 : i32
      %sign3A_881 = arith.cmpi sgt, %add3A_837, %sign3A_880 : i32
      %sign3A_882 = arith.extui %sign3A_881 : i1 to i32
      %sign3A_883 = arith.constant 0 : i32
      %sign3A_884 = arith.cmpi slt, %add3A_837, %sign3A_883 : i32
      %sign3A_885 = arith.extui %sign3A_884 : i1 to i32
      %sign3A_886 = arith.subi %sign3A_882, %sign3A_885 : i32
      %sign3A_887 = arith.constant 0 : i32
      %sign3A_888 = arith.cmpi sgt, %jit3A_878, %sign3A_887 : i32
      %sign3A_889 = arith.extui %sign3A_888 : i1 to i32
      %sign3A_890 = arith.constant 0 : i32
      %sign3A_891 = arith.cmpi slt, %jit3A_878, %sign3A_890 : i32
      %sign3A_892 = arith.extui %sign3A_891 : i1 to i32
      %sign3A_893 = arith.subi %sign3A_889, %sign3A_892 : i32
      %ne3A_894 = arith.cmpi ne, %sign3A_886, %sign3A_893 : i32
      %rem3A_895 = arith.remsi %add3A_837, %jit3A_878 : i32
      %ne3A_896 = arith.constant 0 : i32
      %ne3A_897 = arith.cmpi ne, %rem3A_895, %ne3A_896 : i32
      %and3A_898 = arith.andi %ne3A_894, %ne3A_897 : i1
      %sub3A_899 = arith.constant 1 : i32
      %sub3A_900 = arith.subi %div3A_879, %sub3A_899 : i32
      %select_n3A_901 = arith.select %and3A_898, %sub3A_900, %div3A_879 : i32
      %mul3A_902 = arith.constant 128 : i32
      %mul3A_903 = arith.muli %select_n3A_901, %mul3A_902 : i32
      %add3A_904 = arith.addi %mul3A_2, %mul3A_903 : i32
      %dma_start3A_905 = arith.constant 6 : i32
      %dma_start3A_906 = arith.constant 0 : i32
      %dma_start3A_907 = arith.constant 0 : i32
      %dma_start3A_908 = tpu.memref_slice %arg9[%dma_start3A_905, %dma_start3A_906, %dma_start3A_907] : memref<8x128x32xf32, #tpu.memory_space<vmem>> -> memref<1x128x32xf32, #tpu.memory_space<vmem>>
      %dma_start3A_909 = tpu.memref_squeeze %dma_start3A_908 : memref<1x128x32xf32, #tpu.memory_space<vmem>> -> memref<128x32xf32, #tpu.memory_space<vmem>>
      %dma_start3A_910 = arith.constant 64 : i32
      %dma_start3A_911 = tpu.memref_slice %arg4[%add3A_904, %dma_start3A_910] : memref<204800x128xf32, #tpu.memory_space<hbm>> -> memref<128x32xf32, #tpu.memory_space<hbm>>
      %dma_start3A_912 = arith.constant 64 : i32
      %dma_start3A_913 = tpu.memref_slice %arg4[%add3A_904, %dma_start3A_912] : memref<204800x128xf32, #tpu.memory_space<hbm>> -> memref<128x32xf32, #tpu.memory_space<hbm>>
      %dma_start3A_914 = arith.constant 0 : i32
      %dma_start3A_915 = arith.constant 0 : i32
      %dma_start3A_916 = tpu.memref_slice %arg9[%dma_start3A_905, %dma_start3A_914, %dma_start3A_915] : memref<8x128x32xf32, #tpu.memory_space<vmem>> -> memref<1x128x32xf32, #tpu.memory_space<vmem>>
      %dma_start3A_917 = tpu.memref_squeeze %dma_start3A_916 : memref<1x128x32xf32, #tpu.memory_space<vmem>> -> memref<128x32xf32, #tpu.memory_space<vmem>>
      tpu.enqueue_dma source(%dma_start3A_917 : memref<128x32xf32, #tpu.memory_space<vmem>>) target(%dma_start3A_913 : memref<128x32xf32, #tpu.memory_space<hbm>>) target_semaphore(%arg25 : memref<!tpu.dma_semaphore, #tpu.memory_space<semaphore_mem>>)
      %lt3A_918 = arith.constant 24 : i32
      %lt3A_919 = arith.cmpi slt, %scan3A_320, %lt3A_918 : i32
      %convert_element_type3A_920 = arith.extui %lt3A_919 : i1 to i32
      %cond3A_921 = arith.constant 0 : i32
      %cond3A_922 = arith.cmpi ne, %convert_element_type3A_920, %cond3A_921 : i32
      scf.if %cond3A_922 {
        %jit3A_1010 = arith.constant 4 : i32
        %div3A_1011 = arith.divsi %add3A_837, %jit3A_1010 : i32
        %sign3A_1012 = arith.constant 0 : i32
        %sign3A_1013 = arith.cmpi sgt, %add3A_837, %sign3A_1012 : i32
        %sign3A_1014 = arith.extui %sign3A_1013 : i1 to i32
        %sign3A_1015 = arith.constant 0 : i32
        %sign3A_1016 = arith.cmpi slt, %add3A_837, %sign3A_1015 : i32
        %sign3A_1017 = arith.extui %sign3A_1016 : i1 to i32
        %sign3A_1018 = arith.subi %sign3A_1014, %sign3A_1017 : i32
        %sign3A_1019 = arith.constant 0 : i32
        %sign3A_1020 = arith.cmpi sgt, %jit3A_1010, %sign3A_1019 : i32
        %sign3A_1021 = arith.extui %sign3A_1020 : i1 to i32
        %sign3A_1022 = arith.constant 0 : i32
        %sign3A_1023 = arith.cmpi slt, %jit3A_1010, %sign3A_1022 : i32
        %sign3A_1024 = arith.extui %sign3A_1023 : i1 to i32
        %sign3A_1025 = arith.subi %sign3A_1021, %sign3A_1024 : i32
        %ne3A_1026 = arith.cmpi ne, %sign3A_1018, %sign3A_1025 : i32
        %rem3A_1027 = arith.remsi %add3A_837, %jit3A_1010 : i32
        %ne3A_1028 = arith.constant 0 : i32
        %ne3A_1029 = arith.cmpi ne, %rem3A_1027, %ne3A_1028 : i32
        %and3A_1030 = arith.andi %ne3A_1026, %ne3A_1029 : i1
        %sub3A_1031 = arith.constant 1 : i32
        %sub3A_1032 = arith.subi %div3A_1011, %sub3A_1031 : i32
        %select_n3A_1033 = arith.select %and3A_1030, %sub3A_1032, %div3A_1011 : i32
        %mul3A_1034 = arith.constant 128 : i32
        %mul3A_1035 = arith.muli %select_n3A_1033, %mul3A_1034 : i32
        %add3A_1036 = arith.addi %mul3A_2, %mul3A_1035 : i32
        %dma_wait3A_1037 = arith.constant 6 : i32
        %dma_wait3A_1038 = arith.constant 0 : i32
        %dma_wait3A_1039 = arith.constant 0 : i32
        %dma_wait3A_1040 = tpu.memref_slice %arg9[%dma_wait3A_1037, %dma_wait3A_1038, %dma_wait3A_1039] : memref<8x128x32xf32, #tpu.memory_space<vmem>> -> memref<1x128x32xf32, #tpu.memory_space<vmem>>
        %dma_wait3A_1041 = tpu.memref_squeeze %dma_wait3A_1040 : memref<1x128x32xf32, #tpu.memory_space<vmem>> -> memref<128x32xf32, #tpu.memory_space<vmem>>
        %dma_wait3A_1042 = arith.constant 64 : i32
        %dma_wait3A_1043 = tpu.memref_slice %arg4[%add3A_1036, %dma_wait3A_1042] : memref<204800x128xf32, #tpu.memory_space<hbm>> -> memref<128x32xf32, #tpu.memory_space<hbm>>
        %dma_wait3A_1044 = arith.constant 64 : i32
        %dma_wait3A_1045 = tpu.memref_slice %arg4[%add3A_1036, %dma_wait3A_1044] : memref<204800x128xf32, #tpu.memory_space<hbm>> -> memref<128x32xf32, #tpu.memory_space<hbm>>
        %dma_wait3A_1046 = arith.constant 0 : i32
        %dma_wait3A_1047 = arith.constant 0 : i32
        %dma_wait3A_1048 = tpu.memref_slice %arg9[%dma_wait3A_1037, %dma_wait3A_1046, %dma_wait3A_1047] : memref<8x128x32xf32, #tpu.memory_space<vmem>> -> memref<1x128x32xf32, #tpu.memory_space<vmem>>
        %dma_wait3A_1049 = tpu.memref_squeeze %dma_wait3A_1048 : memref<1x128x32xf32, #tpu.memory_space<vmem>> -> memref<128x32xf32, #tpu.memory_space<vmem>>
        tpu.wait_dma2 semaphore(%arg25 : memref<!tpu.dma_semaphore, #tpu.memory_space<semaphore_mem>>) src(%dma_wait3A_1049 : memref<128x32xf32, #tpu.memory_space<vmem>>) dst(%dma_wait3A_1045 : memref<128x32xf32, #tpu.memory_space<hbm>>)
        %add3A_1050 = arith.constant 8 : i32
        %add3A_1051 = arith.addi %add3A_837, %add3A_1050 : i32
        %jit3A_1052 = arith.constant 4 : i32
        %div3A_1053 = arith.divsi %add3A_1051, %jit3A_1052 : i32
        %sign3A_1054 = arith.constant 0 : i32
        %sign3A_1055 = arith.cmpi sgt, %add3A_1051, %sign3A_1054 : i32
        %sign3A_1056 = arith.extui %sign3A_1055 : i1 to i32
        %sign3A_1057 = arith.constant 0 : i32
        %sign3A_1058 = arith.cmpi slt, %add3A_1051, %sign3A_1057 : i32
        %sign3A_1059 = arith.extui %sign3A_1058 : i1 to i32
        %sign3A_1060 = arith.subi %sign3A_1056, %sign3A_1059 : i32
        %sign3A_1061 = arith.constant 0 : i32
        %sign3A_1062 = arith.cmpi sgt, %jit3A_1052, %sign3A_1061 : i32
        %sign3A_1063 = arith.extui %sign3A_1062 : i1 to i32
        %sign3A_1064 = arith.constant 0 : i32
        %sign3A_1065 = arith.cmpi slt, %jit3A_1052, %sign3A_1064 : i32
        %sign3A_1066 = arith.extui %sign3A_1065 : i1 to i32
        %sign3A_1067 = arith.subi %sign3A_1063, %sign3A_1066 : i32
        %ne3A_1068 = arith.cmpi ne, %sign3A_1060, %sign3A_1067 : i32
        %rem3A_1069 = arith.remsi %add3A_1051, %jit3A_1052 : i32
        %ne3A_1070 = arith.constant 0 : i32
        %ne3A_1071 = arith.cmpi ne, %rem3A_1069, %ne3A_1070 : i32
        %and3A_1072 = arith.andi %ne3A_1068, %ne3A_1071 : i1
        %sub3A_1073 = arith.constant 1 : i32
        %sub3A_1074 = arith.subi %div3A_1053, %sub3A_1073 : i32
        %select_n3A_1075 = arith.select %and3A_1072, %sub3A_1074, %div3A_1053 : i32
        %mul3A_1076 = arith.constant 128 : i32
        %mul3A_1077 = arith.muli %select_n3A_1075, %mul3A_1076 : i32
        %dma_start3A_1078 = arith.constant 2 : i32
        %dma_start3A_1079 = arith.constant 6 : i32
        %dma_start3A_1080 = arith.constant 0 : i32
        %dma_start3A_1081 = arith.constant 0 : i32
        %dma_start3A_1082 = tpu.memref_slice %arg9[%dma_start3A_1079, %dma_start3A_1080, %dma_start3A_1081] : memref<8x128x32xf32, #tpu.memory_space<vmem>> -> memref<1x128x32xf32, #tpu.memory_space<vmem>>
        %dma_start3A_1083 = tpu.memref_squeeze %dma_start3A_1082 : memref<1x128x32xf32, #tpu.memory_space<vmem>> -> memref<128x32xf32, #tpu.memory_space<vmem>>
        %dma_start3A_1084 = tpu.memref_slice %arg7[%mul3A_1077] : memref<6400xi32, #tpu.memory_space<vmem>> -> memref<128xi32, #tpu.memory_space<vmem>>
        %dma_start3A_1085 = arith.constant 0 : i32
        %dma_start3A_1086 = arith.constant 0 : i32
        %dma_start3A_1087 = tpu.memref_slice %arg10[%dma_start3A_1078, %dma_start3A_1085, %dma_start3A_1086] : memref<4x1000x32xf32, #tpu.memory_space<vmem_shared>> -> memref<1x1000x32xf32, #tpu.memory_space<vmem_shared>>
        %dma_start3A_1088 = tpu.memref_squeeze %dma_start3A_1087 : memref<1x1000x32xf32, #tpu.memory_space<vmem_shared>> -> memref<1000x32xf32, #tpu.memory_space<vmem_shared>>
        %dma_start3A_1089 = arith.constant 0 : i32
        %dma_start3A_1090 = arith.constant 0 : i32
        %dma_start3A_1091 = tpu.memref_slice %dma_start3A_1088[%dma_start3A_1089, %dma_start3A_1090] : memref<1000x32xf32, #tpu.memory_space<vmem_shared>> -> memref<1000x32xf32, #tpu.memory_space<vmem_shared>>
        tpu.enqueue_indirect_dma source(%dma_start3A_1091 : memref<1000x32xf32, #tpu.memory_space<vmem_shared>>) target(%dma_start3A_1083 : memref<128x32xf32, #tpu.memory_space<vmem>>) offsets(%dma_start3A_1084 : memref<128xi32, #tpu.memory_space<vmem>>) semaphore(%arg17 : memref<!tpu.dma_semaphore, #tpu.memory_space<semaphore_mem>>)
      } else {
      }
      %add3A_923 = arith.constant 7 : i32
      %add3A_924 = arith.addi %mul3A_322, %add3A_923 : i32
      %jit3A_925 = arith.constant 4 : i32
      %div3A_926 = arith.divsi %add3A_924, %jit3A_925 : i32
      %sign3A_927 = arith.constant 0 : i32
      %sign3A_928 = arith.cmpi sgt, %add3A_924, %sign3A_927 : i32
      %sign3A_929 = arith.extui %sign3A_928 : i1 to i32
      %sign3A_930 = arith.constant 0 : i32
      %sign3A_931 = arith.cmpi slt, %add3A_924, %sign3A_930 : i32
      %sign3A_932 = arith.extui %sign3A_931 : i1 to i32
      %sign3A_933 = arith.subi %sign3A_929, %sign3A_932 : i32
      %sign3A_934 = arith.constant 0 : i32
      %sign3A_935 = arith.cmpi sgt, %jit3A_925, %sign3A_934 : i32
      %sign3A_936 = arith.extui %sign3A_935 : i1 to i32
      %sign3A_937 = arith.constant 0 : i32
      %sign3A_938 = arith.cmpi slt, %jit3A_925, %sign3A_937 : i32
      %sign3A_939 = arith.extui %sign3A_938 : i1 to i32
      %sign3A_940 = arith.subi %sign3A_936, %sign3A_939 : i32
      %ne3A_941 = arith.cmpi ne, %sign3A_933, %sign3A_940 : i32
      %rem3A_942 = arith.remsi %add3A_924, %jit3A_925 : i32
      %ne3A_943 = arith.constant 0 : i32
      %ne3A_944 = arith.cmpi ne, %rem3A_942, %ne3A_943 : i32
      %and3A_945 = arith.andi %ne3A_941, %ne3A_944 : i1
      %sub3A_946 = arith.constant 1 : i32
      %sub3A_947 = arith.subi %div3A_926, %sub3A_946 : i32
      %select_n3A_948 = arith.select %and3A_945, %sub3A_947, %div3A_926 : i32
      %mul3A_949 = arith.constant 128 : i32
      %mul3A_950 = arith.muli %select_n3A_948, %mul3A_949 : i32
      %dma_wait3A_951 = arith.constant 3 : i32
      %dma_wait3A_952 = arith.constant 7 : i32
      %dma_wait3A_953 = arith.constant 0 : i32
      %dma_wait3A_954 = arith.constant 0 : i32
      %dma_wait3A_955 = tpu.memref_slice %arg9[%dma_wait3A_952, %dma_wait3A_953, %dma_wait3A_954] : memref<8x128x32xf32, #tpu.memory_space<vmem>> -> memref<1x128x32xf32, #tpu.memory_space<vmem>>
      %dma_wait3A_956 = tpu.memref_squeeze %dma_wait3A_955 : memref<1x128x32xf32, #tpu.memory_space<vmem>> -> memref<128x32xf32, #tpu.memory_space<vmem>>
      %dma_wait3A_957 = tpu.memref_slice %arg8[%mul3A_950] : memref<6400xi32, #tpu.memory_space<vmem>> -> memref<128xi32, #tpu.memory_space<vmem>>
      %dma_wait3A_958 = arith.constant 0 : i32
      %dma_wait3A_959 = arith.constant 0 : i32
      %dma_wait3A_960 = tpu.memref_slice %arg10[%dma_wait3A_951, %dma_wait3A_958, %dma_wait3A_959] : memref<4x1000x32xf32, #tpu.memory_space<vmem_shared>> -> memref<1x1000x32xf32, #tpu.memory_space<vmem_shared>>
      %dma_wait3A_961 = tpu.memref_squeeze %dma_wait3A_960 : memref<1x1000x32xf32, #tpu.memory_space<vmem_shared>> -> memref<1000x32xf32, #tpu.memory_space<vmem_shared>>
      %dma_wait3A_962 = arith.constant 0 : i32
      %dma_wait3A_963 = arith.constant 0 : i32
      %dma_wait3A_964 = tpu.memref_slice %dma_wait3A_961[%dma_wait3A_962, %dma_wait3A_963] : memref<1000x32xf32, #tpu.memory_space<vmem_shared>> -> memref<1000x32xf32, #tpu.memory_space<vmem_shared>>
      tpu.wait_indirect_dma semaphore(%arg18 : memref<!tpu.dma_semaphore, #tpu.memory_space<semaphore_mem>>) src(%dma_wait3A_964 : memref<1000x32xf32, #tpu.memory_space<vmem_shared>>) dst(%dma_wait3A_956 : memref<128x32xf32, #tpu.memory_space<vmem>>)
      %jit3A_965 = arith.constant 4 : i32
      %div3A_966 = arith.divsi %add3A_924, %jit3A_965 : i32
      %sign3A_967 = arith.constant 0 : i32
      %sign3A_968 = arith.cmpi sgt, %add3A_924, %sign3A_967 : i32
      %sign3A_969 = arith.extui %sign3A_968 : i1 to i32
      %sign3A_970 = arith.constant 0 : i32
      %sign3A_971 = arith.cmpi slt, %add3A_924, %sign3A_970 : i32
      %sign3A_972 = arith.extui %sign3A_971 : i1 to i32
      %sign3A_973 = arith.subi %sign3A_969, %sign3A_972 : i32
      %sign3A_974 = arith.constant 0 : i32
      %sign3A_975 = arith.cmpi sgt, %jit3A_965, %sign3A_974 : i32
      %sign3A_976 = arith.extui %sign3A_975 : i1 to i32
      %sign3A_977 = arith.constant 0 : i32
      %sign3A_978 = arith.cmpi slt, %jit3A_965, %sign3A_977 : i32
      %sign3A_979 = arith.extui %sign3A_978 : i1 to i32
      %sign3A_980 = arith.subi %sign3A_976, %sign3A_979 : i32
      %ne3A_981 = arith.cmpi ne, %sign3A_973, %sign3A_980 : i32
      %rem3A_982 = arith.remsi %add3A_924, %jit3A_965 : i32
      %ne3A_983 = arith.constant 0 : i32
      %ne3A_984 = arith.cmpi ne, %rem3A_982, %ne3A_983 : i32
      %and3A_985 = arith.andi %ne3A_981, %ne3A_984 : i1
      %sub3A_986 = arith.constant 1 : i32
      %sub3A_987 = arith.subi %div3A_966, %sub3A_986 : i32
      %select_n3A_988 = arith.select %and3A_985, %sub3A_987, %div3A_966 : i32
      %mul3A_989 = arith.constant 128 : i32
      %mul3A_990 = arith.muli %select_n3A_988, %mul3A_989 : i32
      %add3A_991 = arith.addi %mul3A_2, %mul3A_990 : i32
      %dma_start3A_992 = arith.constant 7 : i32
      %dma_start3A_993 = arith.constant 0 : i32
      %dma_start3A_994 = arith.constant 0 : i32
      %dma_start3A_995 = tpu.memref_slice %arg9[%dma_start3A_992, %dma_start3A_993, %dma_start3A_994] : memref<8x128x32xf32, #tpu.memory_space<vmem>> -> memref<1x128x32xf32, #tpu.memory_space<vmem>>
      %dma_start3A_996 = tpu.memref_squeeze %dma_start3A_995 : memref<1x128x32xf32, #tpu.memory_space<vmem>> -> memref<128x32xf32, #tpu.memory_space<vmem>>
      %dma_start3A_997 = arith.constant 96 : i32
      %dma_start3A_998 = tpu.memref_slice %arg4[%add3A_991, %dma_start3A_997] : memref<204800x128xf32, #tpu.memory_space<hbm>> -> memref<128x32xf32, #tpu.memory_space<hbm>>
      %dma_start3A_999 = arith.constant 96 : i32
      %dma_start3A_1000 = tpu.memref_slice %arg4[%add3A_991, %dma_start3A_999] : memref<204800x128xf32, #tpu.memory_space<hbm>> -> memref<128x32xf32, #tpu.memory_space<hbm>>
      %dma_start3A_1001 = arith.constant 0 : i32
      %dma_start3A_1002 = arith.constant 0 : i32
      %dma_start3A_1003 = tpu.memref_slice %arg9[%dma_start3A_992, %dma_start3A_1001, %dma_start3A_1002] : memref<8x128x32xf32, #tpu.memory_space<vmem>> -> memref<1x128x32xf32, #tpu.memory_space<vmem>>
      %dma_start3A_1004 = tpu.memref_squeeze %dma_start3A_1003 : memref<1x128x32xf32, #tpu.memory_space<vmem>> -> memref<128x32xf32, #tpu.memory_space<vmem>>
      tpu.enqueue_dma source(%dma_start3A_1004 : memref<128x32xf32, #tpu.memory_space<vmem>>) target(%dma_start3A_1000 : memref<128x32xf32, #tpu.memory_space<hbm>>) target_semaphore(%arg26 : memref<!tpu.dma_semaphore, #tpu.memory_space<semaphore_mem>>)
      %lt3A_1005 = arith.constant 24 : i32
      %lt3A_1006 = arith.cmpi slt, %scan3A_320, %lt3A_1005 : i32
      %convert_element_type3A_1007 = arith.extui %lt3A_1006 : i1 to i32
      %cond3A_1008 = arith.constant 0 : i32
      %cond3A_1009 = arith.cmpi ne, %convert_element_type3A_1007, %cond3A_1008 : i32
      scf.if %cond3A_1009 {
        %jit3A_1010 = arith.constant 4 : i32
        %div3A_1011 = arith.divsi %add3A_924, %jit3A_1010 : i32
        %sign3A_1012 = arith.constant 0 : i32
        %sign3A_1013 = arith.cmpi sgt, %add3A_924, %sign3A_1012 : i32
        %sign3A_1014 = arith.extui %sign3A_1013 : i1 to i32
        %sign3A_1015 = arith.constant 0 : i32
        %sign3A_1016 = arith.cmpi slt, %add3A_924, %sign3A_1015 : i32
        %sign3A_1017 = arith.extui %sign3A_1016 : i1 to i32
        %sign3A_1018 = arith.subi %sign3A_1014, %sign3A_1017 : i32
        %sign3A_1019 = arith.constant 0 : i32
        %sign3A_1020 = arith.cmpi sgt, %jit3A_1010, %sign3A_1019 : i32
        %sign3A_1021 = arith.extui %sign3A_1020 : i1 to i32
        %sign3A_1022 = arith.constant 0 : i32
        %sign3A_1023 = arith.cmpi slt, %jit3A_1010, %sign3A_1022 : i32
        %sign3A_1024 = arith.extui %sign3A_1023 : i1 to i32
        %sign3A_1025 = arith.subi %sign3A_1021, %sign3A_1024 : i32
        %ne3A_1026 = arith.cmpi ne, %sign3A_1018, %sign3A_1025 : i32
        %rem3A_1027 = arith.remsi %add3A_924, %jit3A_1010 : i32
        %ne3A_1028 = arith.constant 0 : i32
        %ne3A_1029 = arith.cmpi ne, %rem3A_1027, %ne3A_1028 : i32
        %and3A_1030 = arith.andi %ne3A_1026, %ne3A_1029 : i1
        %sub3A_1031 = arith.constant 1 : i32
        %sub3A_1032 = arith.subi %div3A_1011, %sub3A_1031 : i32
        %select_n3A_1033 = arith.select %and3A_1030, %sub3A_1032, %div3A_1011 : i32
        %mul3A_1034 = arith.constant 128 : i32
        %mul3A_1035 = arith.muli %select_n3A_1033, %mul3A_1034 : i32
        %add3A_1036 = arith.addi %mul3A_2, %mul3A_1035 : i32
        %dma_wait3A_1037 = arith.constant 7 : i32
        %dma_wait3A_1038 = arith.constant 0 : i32
        %dma_wait3A_1039 = arith.constant 0 : i32
        %dma_wait3A_1040 = tpu.memref_slice %arg9[%dma_wait3A_1037, %dma_wait3A_1038, %dma_wait3A_1039] : memref<8x128x32xf32, #tpu.memory_space<vmem>> -> memref<1x128x32xf32, #tpu.memory_space<vmem>>
        %dma_wait3A_1041 = tpu.memref_squeeze %dma_wait3A_1040 : memref<1x128x32xf32, #tpu.memory_space<vmem>> -> memref<128x32xf32, #tpu.memory_space<vmem>>
        %dma_wait3A_1042 = arith.constant 96 : i32
        %dma_wait3A_1043 = tpu.memref_slice %arg4[%add3A_1036, %dma_wait3A_1042] : memref<204800x128xf32, #tpu.memory_space<hbm>> -> memref<128x32xf32, #tpu.memory_space<hbm>>
        %dma_wait3A_1044 = arith.constant 96 : i32
        %dma_wait3A_1045 = tpu.memref_slice %arg4[%add3A_1036, %dma_wait3A_1044] : memref<204800x128xf32, #tpu.memory_space<hbm>> -> memref<128x32xf32, #tpu.memory_space<hbm>>
        %dma_wait3A_1046 = arith.constant 0 : i32
        %dma_wait3A_1047 = arith.constant 0 : i32
        %dma_wait3A_1048 = tpu.memref_slice %arg9[%dma_wait3A_1037, %dma_wait3A_1046, %dma_wait3A_1047] : memref<8x128x32xf32, #tpu.memory_space<vmem>> -> memref<1x128x32xf32, #tpu.memory_space<vmem>>
        %dma_wait3A_1049 = tpu.memref_squeeze %dma_wait3A_1048 : memref<1x128x32xf32, #tpu.memory_space<vmem>> -> memref<128x32xf32, #tpu.memory_space<vmem>>
        tpu.wait_dma2 semaphore(%arg26 : memref<!tpu.dma_semaphore, #tpu.memory_space<semaphore_mem>>) src(%dma_wait3A_1049 : memref<128x32xf32, #tpu.memory_space<vmem>>) dst(%dma_wait3A_1045 : memref<128x32xf32, #tpu.memory_space<hbm>>)
        %add3A_1050 = arith.constant 8 : i32
        %add3A_1051 = arith.addi %add3A_924, %add3A_1050 : i32
        %jit3A_1052 = arith.constant 4 : i32
        %div3A_1053 = arith.divsi %add3A_1051, %jit3A_1052 : i32
        %sign3A_1054 = arith.constant 0 : i32
        %sign3A_1055 = arith.cmpi sgt, %add3A_1051, %sign3A_1054 : i32
        %sign3A_1056 = arith.extui %sign3A_1055 : i1 to i32
        %sign3A_1057 = arith.constant 0 : i32
        %sign3A_1058 = arith.cmpi slt, %add3A_1051, %sign3A_1057 : i32
        %sign3A_1059 = arith.extui %sign3A_1058 : i1 to i32
        %sign3A_1060 = arith.subi %sign3A_1056, %sign3A_1059 : i32
        %sign3A_1061 = arith.constant 0 : i32
        %sign3A_1062 = arith.cmpi sgt, %jit3A_1052, %sign3A_1061 : i32
        %sign3A_1063 = arith.extui %sign3A_1062 : i1 to i32
        %sign3A_1064 = arith.constant 0 : i32
        %sign3A_1065 = arith.cmpi slt, %jit3A_1052, %sign3A_1064 : i32
        %sign3A_1066 = arith.extui %sign3A_1065 : i1 to i32
        %sign3A_1067 = arith.subi %sign3A_1063, %sign3A_1066 : i32
        %ne3A_1068 = arith.cmpi ne, %sign3A_1060, %sign3A_1067 : i32
        %rem3A_1069 = arith.remsi %add3A_1051, %jit3A_1052 : i32
        %ne3A_1070 = arith.constant 0 : i32
        %ne3A_1071 = arith.cmpi ne, %rem3A_1069, %ne3A_1070 : i32
        %and3A_1072 = arith.andi %ne3A_1068, %ne3A_1071 : i1
        %sub3A_1073 = arith.constant 1 : i32
        %sub3A_1074 = arith.subi %div3A_1053, %sub3A_1073 : i32
        %select_n3A_1075 = arith.select %and3A_1072, %sub3A_1074, %div3A_1053 : i32
        %mul3A_1076 = arith.constant 128 : i32
        %mul3A_1077 = arith.muli %select_n3A_1075, %mul3A_1076 : i32
        %dma_start3A_1078 = arith.constant 3 : i32
        %dma_start3A_1079 = arith.constant 7 : i32
        %dma_start3A_1080 = arith.constant 0 : i32
        %dma_start3A_1081 = arith.constant 0 : i32
        %dma_start3A_1082 = tpu.memref_slice %arg9[%dma_start3A_1079, %dma_start3A_1080, %dma_start3A_1081] : memref<8x128x32xf32, #tpu.memory_space<vmem>> -> memref<1x128x32xf32, #tpu.memory_space<vmem>>
        %dma_start3A_1083 = tpu.memref_squeeze %dma_start3A_1082 : memref<1x128x32xf32, #tpu.memory_space<vmem>> -> memref<128x32xf32, #tpu.memory_space<vmem>>
        %dma_start3A_1084 = tpu.memref_slice %arg8[%mul3A_1077] : memref<6400xi32, #tpu.memory_space<vmem>> -> memref<128xi32, #tpu.memory_space<vmem>>
        %dma_start3A_1085 = arith.constant 0 : i32
        %dma_start3A_1086 = arith.constant 0 : i32
        %dma_start3A_1087 = tpu.memref_slice %arg10[%dma_start3A_1078, %dma_start3A_1085, %dma_start3A_1086] : memref<4x1000x32xf32, #tpu.memory_space<vmem_shared>> -> memref<1x1000x32xf32, #tpu.memory_space<vmem_shared>>
        %dma_start3A_1088 = tpu.memref_squeeze %dma_start3A_1087 : memref<1x1000x32xf32, #tpu.memory_space<vmem_shared>> -> memref<1000x32xf32, #tpu.memory_space<vmem_shared>>
        %dma_start3A_1089 = arith.constant 0 : i32
        %dma_start3A_1090 = arith.constant 0 : i32
        %dma_start3A_1091 = tpu.memref_slice %dma_start3A_1088[%dma_start3A_1089, %dma_start3A_1090] : memref<1000x32xf32, #tpu.memory_space<vmem_shared>> -> memref<1000x32xf32, #tpu.memory_space<vmem_shared>>
        tpu.enqueue_indirect_dma source(%dma_start3A_1091 : memref<1000x32xf32, #tpu.memory_space<vmem_shared>>) target(%dma_start3A_1083 : memref<128x32xf32, #tpu.memory_space<vmem>>) offsets(%dma_start3A_1084 : memref<128xi32, #tpu.memory_space<vmem>>) semaphore(%arg18 : memref<!tpu.dma_semaphore, #tpu.memory_space<semaphore_mem>>)
      } else {
      }
    }
    %scan3A_199 = arith.constant 25 : i32
    %add3A_200 = arith.constant 6144 : i32
    %add3A_201 = arith.addi %mul3A_2, %add3A_200 : i32
    %dma_wait3A_202 = arith.constant 0 : i32
    %dma_wait3A_203 = arith.constant 0 : i32
    %dma_wait3A_204 = arith.constant 0 : i32
    %dma_wait3A_205 = tpu.memref_slice %arg9[%dma_wait3A_202, %dma_wait3A_203, %dma_wait3A_204] : memref<8x128x32xf32, #tpu.memory_space<vmem>> -> memref<1x128x32xf32, #tpu.memory_space<vmem>>
    %dma_wait3A_206 = tpu.memref_squeeze %dma_wait3A_205 : memref<1x128x32xf32, #tpu.memory_space<vmem>> -> memref<128x32xf32, #tpu.memory_space<vmem>>
    %dma_wait3A_207 = arith.constant 0 : i32
    %dma_wait3A_208 = tpu.memref_slice %arg4[%add3A_201, %dma_wait3A_207] : memref<204800x128xf32, #tpu.memory_space<hbm>> -> memref<128x32xf32, #tpu.memory_space<hbm>>
    %dma_wait3A_209 = arith.constant 0 : i32
    %dma_wait3A_210 = tpu.memref_slice %arg4[%add3A_201, %dma_wait3A_209] : memref<204800x128xf32, #tpu.memory_space<hbm>> -> memref<128x32xf32, #tpu.memory_space<hbm>>
    %dma_wait3A_211 = arith.constant 0 : i32
    %dma_wait3A_212 = arith.constant 0 : i32
    %dma_wait3A_213 = tpu.memref_slice %arg9[%dma_wait3A_202, %dma_wait3A_211, %dma_wait3A_212] : memref<8x128x32xf32, #tpu.memory_space<vmem>> -> memref<1x128x32xf32, #tpu.memory_space<vmem>>
    %dma_wait3A_214 = tpu.memref_squeeze %dma_wait3A_213 : memref<1x128x32xf32, #tpu.memory_space<vmem>> -> memref<128x32xf32, #tpu.memory_space<vmem>>
    tpu.wait_dma2 semaphore(%arg19 : memref<!tpu.dma_semaphore, #tpu.memory_space<semaphore_mem>>) src(%dma_wait3A_214 : memref<128x32xf32, #tpu.memory_space<vmem>>) dst(%dma_wait3A_210 : memref<128x32xf32, #tpu.memory_space<hbm>>)
    %add3A_215 = arith.constant 6144 : i32
    %add3A_216 = arith.addi %mul3A_2, %add3A_215 : i32
    %dma_wait3A_217 = arith.constant 1 : i32
    %dma_wait3A_218 = arith.constant 0 : i32
    %dma_wait3A_219 = arith.constant 0 : i32
    %dma_wait3A_220 = tpu.memref_slice %arg9[%dma_wait3A_217, %dma_wait3A_218, %dma_wait3A_219] : memref<8x128x32xf32, #tpu.memory_space<vmem>> -> memref<1x128x32xf32, #tpu.memory_space<vmem>>
    %dma_wait3A_221 = tpu.memref_squeeze %dma_wait3A_220 : memref<1x128x32xf32, #tpu.memory_space<vmem>> -> memref<128x32xf32, #tpu.memory_space<vmem>>
    %dma_wait3A_222 = arith.constant 32 : i32
    %dma_wait3A_223 = tpu.memref_slice %arg4[%add3A_216, %dma_wait3A_222] : memref<204800x128xf32, #tpu.memory_space<hbm>> -> memref<128x32xf32, #tpu.memory_space<hbm>>
    %dma_wait3A_224 = arith.constant 32 : i32
    %dma_wait3A_225 = tpu.memref_slice %arg4[%add3A_216, %dma_wait3A_224] : memref<204800x128xf32, #tpu.memory_space<hbm>> -> memref<128x32xf32, #tpu.memory_space<hbm>>
    %dma_wait3A_226 = arith.constant 0 : i32
    %dma_wait3A_227 = arith.constant 0 : i32
    %dma_wait3A_228 = tpu.memref_slice %arg9[%dma_wait3A_217, %dma_wait3A_226, %dma_wait3A_227] : memref<8x128x32xf32, #tpu.memory_space<vmem>> -> memref<1x128x32xf32, #tpu.memory_space<vmem>>
    %dma_wait3A_229 = tpu.memref_squeeze %dma_wait3A_228 : memref<1x128x32xf32, #tpu.memory_space<vmem>> -> memref<128x32xf32, #tpu.memory_space<vmem>>
    tpu.wait_dma2 semaphore(%arg20 : memref<!tpu.dma_semaphore, #tpu.memory_space<semaphore_mem>>) src(%dma_wait3A_229 : memref<128x32xf32, #tpu.memory_space<vmem>>) dst(%dma_wait3A_225 : memref<128x32xf32, #tpu.memory_space<hbm>>)
    %add3A_230 = arith.constant 6144 : i32
    %add3A_231 = arith.addi %mul3A_2, %add3A_230 : i32
    %dma_wait3A_232 = arith.constant 2 : i32
    %dma_wait3A_233 = arith.constant 0 : i32
    %dma_wait3A_234 = arith.constant 0 : i32
    %dma_wait3A_235 = tpu.memref_slice %arg9[%dma_wait3A_232, %dma_wait3A_233, %dma_wait3A_234] : memref<8x128x32xf32, #tpu.memory_space<vmem>> -> memref<1x128x32xf32, #tpu.memory_space<vmem>>
    %dma_wait3A_236 = tpu.memref_squeeze %dma_wait3A_235 : memref<1x128x32xf32, #tpu.memory_space<vmem>> -> memref<128x32xf32, #tpu.memory_space<vmem>>
    %dma_wait3A_237 = arith.constant 64 : i32
    %dma_wait3A_238 = tpu.memref_slice %arg4[%add3A_231, %dma_wait3A_237] : memref<204800x128xf32, #tpu.memory_space<hbm>> -> memref<128x32xf32, #tpu.memory_space<hbm>>
    %dma_wait3A_239 = arith.constant 64 : i32
    %dma_wait3A_240 = tpu.memref_slice %arg4[%add3A_231, %dma_wait3A_239] : memref<204800x128xf32, #tpu.memory_space<hbm>> -> memref<128x32xf32, #tpu.memory_space<hbm>>
    %dma_wait3A_241 = arith.constant 0 : i32
    %dma_wait3A_242 = arith.constant 0 : i32
    %dma_wait3A_243 = tpu.memref_slice %arg9[%dma_wait3A_232, %dma_wait3A_241, %dma_wait3A_242] : memref<8x128x32xf32, #tpu.memory_space<vmem>> -> memref<1x128x32xf32, #tpu.memory_space<vmem>>
    %dma_wait3A_244 = tpu.memref_squeeze %dma_wait3A_243 : memref<1x128x32xf32, #tpu.memory_space<vmem>> -> memref<128x32xf32, #tpu.memory_space<vmem>>
    tpu.wait_dma2 semaphore(%arg21 : memref<!tpu.dma_semaphore, #tpu.memory_space<semaphore_mem>>) src(%dma_wait3A_244 : memref<128x32xf32, #tpu.memory_space<vmem>>) dst(%dma_wait3A_240 : memref<128x32xf32, #tpu.memory_space<hbm>>)
    %add3A_245 = arith.constant 6144 : i32
    %add3A_246 = arith.addi %mul3A_2, %add3A_245 : i32
    %dma_wait3A_247 = arith.constant 3 : i32
    %dma_wait3A_248 = arith.constant 0 : i32
    %dma_wait3A_249 = arith.constant 0 : i32
    %dma_wait3A_250 = tpu.memref_slice %arg9[%dma_wait3A_247, %dma_wait3A_248, %dma_wait3A_249] : memref<8x128x32xf32, #tpu.memory_space<vmem>> -> memref<1x128x32xf32, #tpu.memory_space<vmem>>
    %dma_wait3A_251 = tpu.memref_squeeze %dma_wait3A_250 : memref<1x128x32xf32, #tpu.memory_space<vmem>> -> memref<128x32xf32, #tpu.memory_space<vmem>>
    %dma_wait3A_252 = arith.constant 96 : i32
    %dma_wait3A_253 = tpu.memref_slice %arg4[%add3A_246, %dma_wait3A_252] : memref<204800x128xf32, #tpu.memory_space<hbm>> -> memref<128x32xf32, #tpu.memory_space<hbm>>
    %dma_wait3A_254 = arith.constant 96 : i32
    %dma_wait3A_255 = tpu.memref_slice %arg4[%add3A_246, %dma_wait3A_254] : memref<204800x128xf32, #tpu.memory_space<hbm>> -> memref<128x32xf32, #tpu.memory_space<hbm>>
    %dma_wait3A_256 = arith.constant 0 : i32
    %dma_wait3A_257 = arith.constant 0 : i32
    %dma_wait3A_258 = tpu.memref_slice %arg9[%dma_wait3A_247, %dma_wait3A_256, %dma_wait3A_257] : memref<8x128x32xf32, #tpu.memory_space<vmem>> -> memref<1x128x32xf32, #tpu.memory_space<vmem>>
    %dma_wait3A_259 = tpu.memref_squeeze %dma_wait3A_258 : memref<1x128x32xf32, #tpu.memory_space<vmem>> -> memref<128x32xf32, #tpu.memory_space<vmem>>
    tpu.wait_dma2 semaphore(%arg22 : memref<!tpu.dma_semaphore, #tpu.memory_space<semaphore_mem>>) src(%dma_wait3A_259 : memref<128x32xf32, #tpu.memory_space<vmem>>) dst(%dma_wait3A_255 : memref<128x32xf32, #tpu.memory_space<hbm>>)
    %add3A_260 = arith.constant 6272 : i32
    %add3A_261 = arith.addi %mul3A_2, %add3A_260 : i32
    %dma_wait3A_262 = arith.constant 4 : i32
    %dma_wait3A_263 = arith.constant 0 : i32
    %dma_wait3A_264 = arith.constant 0 : i32
    %dma_wait3A_265 = tpu.memref_slice %arg9[%dma_wait3A_262, %dma_wait3A_263, %dma_wait3A_264] : memref<8x128x32xf32, #tpu.memory_space<vmem>> -> memref<1x128x32xf32, #tpu.memory_space<vmem>>
    %dma_wait3A_266 = tpu.memref_squeeze %dma_wait3A_265 : memref<1x128x32xf32, #tpu.memory_space<vmem>> -> memref<128x32xf32, #tpu.memory_space<vmem>>
    %dma_wait3A_267 = arith.constant 0 : i32
    %dma_wait3A_268 = tpu.memref_slice %arg4[%add3A_261, %dma_wait3A_267] : memref<204800x128xf32, #tpu.memory_space<hbm>> -> memref<128x32xf32, #tpu.memory_space<hbm>>
    %dma_wait3A_269 = arith.constant 0 : i32
    %dma_wait3A_270 = tpu.memref_slice %arg4[%add3A_261, %dma_wait3A_269] : memref<204800x128xf32, #tpu.memory_space<hbm>> -> memref<128x32xf32, #tpu.memory_space<hbm>>
    %dma_wait3A_271 = arith.constant 0 : i32
    %dma_wait3A_272 = arith.constant 0 : i32
    %dma_wait3A_273 = tpu.memref_slice %arg9[%dma_wait3A_262, %dma_wait3A_271, %dma_wait3A_272] : memref<8x128x32xf32, #tpu.memory_space<vmem>> -> memref<1x128x32xf32, #tpu.memory_space<vmem>>
    %dma_wait3A_274 = tpu.memref_squeeze %dma_wait3A_273 : memref<1x128x32xf32, #tpu.memory_space<vmem>> -> memref<128x32xf32, #tpu.memory_space<vmem>>
    tpu.wait_dma2 semaphore(%arg23 : memref<!tpu.dma_semaphore, #tpu.memory_space<semaphore_mem>>) src(%dma_wait3A_274 : memref<128x32xf32, #tpu.memory_space<vmem>>) dst(%dma_wait3A_270 : memref<128x32xf32, #tpu.memory_space<hbm>>)
    %add3A_275 = arith.constant 6272 : i32
    %add3A_276 = arith.addi %mul3A_2, %add3A_275 : i32
    %dma_wait3A_277 = arith.constant 5 : i32
    %dma_wait3A_278 = arith.constant 0 : i32
    %dma_wait3A_279 = arith.constant 0 : i32
    %dma_wait3A_280 = tpu.memref_slice %arg9[%dma_wait3A_277, %dma_wait3A_278, %dma_wait3A_279] : memref<8x128x32xf32, #tpu.memory_space<vmem>> -> memref<1x128x32xf32, #tpu.memory_space<vmem>>
    %dma_wait3A_281 = tpu.memref_squeeze %dma_wait3A_280 : memref<1x128x32xf32, #tpu.memory_space<vmem>> -> memref<128x32xf32, #tpu.memory_space<vmem>>
    %dma_wait3A_282 = arith.constant 32 : i32
    %dma_wait3A_283 = tpu.memref_slice %arg4[%add3A_276, %dma_wait3A_282] : memref<204800x128xf32, #tpu.memory_space<hbm>> -> memref<128x32xf32, #tpu.memory_space<hbm>>
    %dma_wait3A_284 = arith.constant 32 : i32
    %dma_wait3A_285 = tpu.memref_slice %arg4[%add3A_276, %dma_wait3A_284] : memref<204800x128xf32, #tpu.memory_space<hbm>> -> memref<128x32xf32, #tpu.memory_space<hbm>>
    %dma_wait3A_286 = arith.constant 0 : i32
    %dma_wait3A_287 = arith.constant 0 : i32
    %dma_wait3A_288 = tpu.memref_slice %arg9[%dma_wait3A_277, %dma_wait3A_286, %dma_wait3A_287] : memref<8x128x32xf32, #tpu.memory_space<vmem>> -> memref<1x128x32xf32, #tpu.memory_space<vmem>>
    %dma_wait3A_289 = tpu.memref_squeeze %dma_wait3A_288 : memref<1x128x32xf32, #tpu.memory_space<vmem>> -> memref<128x32xf32, #tpu.memory_space<vmem>>
    tpu.wait_dma2 semaphore(%arg24 : memref<!tpu.dma_semaphore, #tpu.memory_space<semaphore_mem>>) src(%dma_wait3A_289 : memref<128x32xf32, #tpu.memory_space<vmem>>) dst(%dma_wait3A_285 : memref<128x32xf32, #tpu.memory_space<hbm>>)
    %add3A_290 = arith.constant 6272 : i32
    %add3A_291 = arith.addi %mul3A_2, %add3A_290 : i32
    %dma_wait3A_292 = arith.constant 6 : i32
    %dma_wait3A_293 = arith.constant 0 : i32
    %dma_wait3A_294 = arith.constant 0 : i32
    %dma_wait3A_295 = tpu.memref_slice %arg9[%dma_wait3A_292, %dma_wait3A_293, %dma_wait3A_294] : memref<8x128x32xf32, #tpu.memory_space<vmem>> -> memref<1x128x32xf32, #tpu.memory_space<vmem>>
    %dma_wait3A_296 = tpu.memref_squeeze %dma_wait3A_295 : memref<1x128x32xf32, #tpu.memory_space<vmem>> -> memref<128x32xf32, #tpu.memory_space<vmem>>
    %dma_wait3A_297 = arith.constant 64 : i32
    %dma_wait3A_298 = tpu.memref_slice %arg4[%add3A_291, %dma_wait3A_297] : memref<204800x128xf32, #tpu.memory_space<hbm>> -> memref<128x32xf32, #tpu.memory_space<hbm>>
    %dma_wait3A_299 = arith.constant 64 : i32
    %dma_wait3A_300 = tpu.memref_slice %arg4[%add3A_291, %dma_wait3A_299] : memref<204800x128xf32, #tpu.memory_space<hbm>> -> memref<128x32xf32, #tpu.memory_space<hbm>>
    %dma_wait3A_301 = arith.constant 0 : i32
    %dma_wait3A_302 = arith.constant 0 : i32
    %dma_wait3A_303 = tpu.memref_slice %arg9[%dma_wait3A_292, %dma_wait3A_301, %dma_wait3A_302] : memref<8x128x32xf32, #tpu.memory_space<vmem>> -> memref<1x128x32xf32, #tpu.memory_space<vmem>>
    %dma_wait3A_304 = tpu.memref_squeeze %dma_wait3A_303 : memref<1x128x32xf32, #tpu.memory_space<vmem>> -> memref<128x32xf32, #tpu.memory_space<vmem>>
    tpu.wait_dma2 semaphore(%arg25 : memref<!tpu.dma_semaphore, #tpu.memory_space<semaphore_mem>>) src(%dma_wait3A_304 : memref<128x32xf32, #tpu.memory_space<vmem>>) dst(%dma_wait3A_300 : memref<128x32xf32, #tpu.memory_space<hbm>>)
    %add3A_305 = arith.constant 6272 : i32
    %add3A_306 = arith.addi %mul3A_2, %add3A_305 : i32
    %dma_wait3A_307 = arith.constant 7 : i32
    %dma_wait3A_308 = arith.constant 0 : i32
    %dma_wait3A_309 = arith.constant 0 : i32
    %dma_wait3A_310 = tpu.memref_slice %arg9[%dma_wait3A_307, %dma_wait3A_308, %dma_wait3A_309] : memref<8x128x32xf32, #tpu.memory_space<vmem>> -> memref<1x128x32xf32, #tpu.memory_space<vmem>>
    %dma_wait3A_311 = tpu.memref_squeeze %dma_wait3A_310 : memref<1x128x32xf32, #tpu.memory_space<vmem>> -> memref<128x32xf32, #tpu.memory_space<vmem>>
    %dma_wait3A_312 = arith.constant 96 : i32
    %dma_wait3A_313 = tpu.memref_slice %arg4[%add3A_306, %dma_wait3A_312] : memref<204800x128xf32, #tpu.memory_space<hbm>> -> memref<128x32xf32, #tpu.memory_space<hbm>>
    %dma_wait3A_314 = arith.constant 96 : i32
    %dma_wait3A_315 = tpu.memref_slice %arg4[%add3A_306, %dma_wait3A_314] : memref<204800x128xf32, #tpu.memory_space<hbm>> -> memref<128x32xf32, #tpu.memory_space<hbm>>
    %dma_wait3A_316 = arith.constant 0 : i32
    %dma_wait3A_317 = arith.constant 0 : i32
    %dma_wait3A_318 = tpu.memref_slice %arg9[%dma_wait3A_307, %dma_wait3A_316, %dma_wait3A_317] : memref<8x128x32xf32, #tpu.memory_space<vmem>> -> memref<1x128x32xf32, #tpu.memory_space<vmem>>
    %dma_wait3A_319 = tpu.memref_squeeze %dma_wait3A_318 : memref<1x128x32xf32, #tpu.memory_space<vmem>> -> memref<128x32xf32, #tpu.memory_space<vmem>>
    tpu.wait_dma2 semaphore(%arg26 : memref<!tpu.dma_semaphore, #tpu.memory_space<semaphore_mem>>) src(%dma_wait3A_319 : memref<128x32xf32, #tpu.memory_space<vmem>>) dst(%dma_wait3A_315 : memref<128x32xf32, #tpu.memory_space<hbm>>)
    return
  }
}

module attributes {stable_mosaic.version = 14 : i64} {
  func.func @_ctx_body(%arg0: memref<4096x1xi32, #tpu.memory_space<vmem>>, %arg1: memref<4096x1xi32, #tpu.memory_space<vmem>>, %arg2: memref<4096x1xi32, #tpu.memory_space<vmem>>, %arg3: memref<4096x1xi32, #tpu.memory_space<vmem>>, %arg4: memref<4096x35xf32, #tpu.memory_space<vmem>>) attributes {dimension_semantics = [], scalar_prefetch = 0 : i64, scratch_operands = 0 : i64, tpu.core_type = #tpu.core_type<tc>} {
    %iota3A = tpu.iota {dimensions = array<i32: 1>} : vector<4096x35xi32>
    %sub3A = arith.constant 3 : i32
    %sub3A_0 = vector.broadcast %sub3A : i32 to vector<4096x35xi32>
    %sub3A_1 = arith.subi %iota3A, %sub3A_0 : vector<4096x35xi32>
    %get3A = arith.constant 0 : index
    %get3A_2 = arith.constant 0 : index
    %get3A_3 = vector.load %arg3[%get3A, %get3A_2] : memref<4096x1xi32, #tpu.memory_space<vmem>>, vector<4096x1xi32>
    %eq3A = vector.broadcast %get3A_3 : vector<4096x1xi32> to vector<4096x35xi32>
    %eq3A_4 = arith.cmpi eq, %sub3A_1, %eq3A : vector<4096x35xi32>
    %convert_element_type3A = arith.extui %eq3A_4 : vector<4096x35xi1> to vector<4096x35xi32>
    %eq3A_5 = arith.constant 0 : i32
    %eq3A_6 = vector.broadcast %eq3A_5 : i32 to vector<4096x35xi32>
    %eq3A_7 = arith.cmpi eq, %iota3A, %eq3A_6 : vector<4096x35xi32>
    %get3A_8 = arith.constant 0 : index
    %get3A_9 = arith.constant 0 : index
    %get3A_10 = vector.load %arg0[%get3A_8, %get3A_9] : memref<4096x1xi32, #tpu.memory_space<vmem>>, vector<4096x1xi32>
    %eq3A_11 = arith.constant 1 : i32
    %eq3A_12 = vector.broadcast %eq3A_11 : i32 to vector<4096x35xi32>
    %eq3A_13 = arith.cmpi eq, %iota3A, %eq3A_12 : vector<4096x35xi32>
    %get3A_14 = arith.constant 0 : index
    %get3A_15 = arith.constant 0 : index
    %get3A_16 = vector.load %arg1[%get3A_14, %get3A_15] : memref<4096x1xi32, #tpu.memory_space<vmem>>, vector<4096x1xi32>
    %eq3A_17 = arith.constant 2 : i32
    %eq3A_18 = vector.broadcast %eq3A_17 : i32 to vector<4096x35xi32>
    %eq3A_19 = arith.cmpi eq, %iota3A, %eq3A_18 : vector<4096x35xi32>
    %get3A_20 = arith.constant 0 : index
    %get3A_21 = arith.constant 0 : index
    %get3A_22 = vector.load %arg2[%get3A_20, %get3A_21] : memref<4096x1xi32, #tpu.memory_space<vmem>>, vector<4096x1xi32>
    %broadcast_in_dim3A = vector.shape_cast %get3A_22 : vector<4096x1xi32> to vector<4096x1xi32>
    %broadcast_in_dim3A_23 = vector.broadcast %broadcast_in_dim3A : vector<4096x1xi32> to vector<4096x35xi32>
    %select_n3A = arith.select %eq3A_19, %broadcast_in_dim3A_23, %convert_element_type3A : vector<4096x35xi1>, vector<4096x35xi32>
    %broadcast_in_dim3A_24 = vector.shape_cast %get3A_16 : vector<4096x1xi32> to vector<4096x1xi32>
    %broadcast_in_dim3A_25 = vector.broadcast %broadcast_in_dim3A_24 : vector<4096x1xi32> to vector<4096x35xi32>
    %select_n3A_26 = arith.select %eq3A_13, %broadcast_in_dim3A_25, %select_n3A : vector<4096x35xi1>, vector<4096x35xi32>
    %broadcast_in_dim3A_27 = vector.shape_cast %get3A_10 : vector<4096x1xi32> to vector<4096x1xi32>
    %broadcast_in_dim3A_28 = vector.broadcast %broadcast_in_dim3A_27 : vector<4096x1xi32> to vector<4096x35xi32>
    %select_n3A_29 = arith.select %eq3A_7, %broadcast_in_dim3A_28, %select_n3A_26 : vector<4096x35xi1>, vector<4096x35xi32>
    %convert_element_type3A_30 = arith.sitofp %select_n3A_29 : vector<4096x35xi32> to vector<4096x35xf32>
    %swap3A = arith.constant 0 : index
    %swap3A_31 = arith.constant 0 : index
    %swap3A_32 = vector.load %arg4[%swap3A, %swap3A_31] : memref<4096x35xf32, #tpu.memory_space<vmem>>, vector<4096x35xf32>
    tpu.vector_store %arg4[%swap3A, %swap3A_31], %convert_element_type3A_30 {strides = array<i32>} : memref<4096x35xf32, #tpu.memory_space<vmem>>, vector<4096x35xf32>,
    return
  }
}

</mosaic_0001>

<sc_bundles>
// kernel: kernel.4.cloned.1.call-start
scs
__scs_entry_jumppad:
0x0: {  	(pc) =	sbr.rel $0x88, $3  }
0x1: {  	(tag) =	ssettag $0x0;
	lr =	simm.s32 $0x1  }
0x2: {  	[smem:$0x3F95] =	sst lr;
	_ =	strace $0xD0000000  }
0x3: {  	_ = 	snop  }
0x4: {  	_ = 	snop  }
0x5: {  	_ = 	snop  }
0x6: {  	_ = 	snop  }
0x7: {  	_ = 	snop  }
__scs_overlays_trampoline_lowered:
0x8: {  	[smem:$0x3FA4] =	sst s0  }
0x9: {  	[smem:$0x3FA5] =	sst s1  }
0xa: {  	[smem:$0x3FA6] =	sst s2  }
0xb: {  	[smem:$0x3FA7] =	sst s3  }
0xc: {  	[smem:$0x3FA8] =	sst s4  }
0xd: {  	[smem:$0x3FA9] =	sst s5  }
0xe: {  	[smem:$0x3FAA] =	sst s6  }
0xf: {  	[smem:$0x3FAB] =	sst s7  }
0x10: {  	[smem:$0x3FAC] =	sst s8  }
0x11: {  	[smem:$0x3FAD] =	sst s9;
	s0 =	simm.s32 @!p0 $0x0  }
0x12: {  	s1 =	sld [smem:$0x3F93];
	s0 =	simm.s32 @p0 $0x1  }
0x13: {  	[smem:$0x3FAE] =	sst s0;
	s0 =	simm.s32 @!p1 $0x0  }
0x14: {  	s2 =	sld [smem:$0x3F92];
	s0 =	simm.s32 @p1 $0x1  }
0x15: {  	[smem:$0x3FAF] =	sst s0;
	s0 =	simm.s32 @!p2 $0x0  }
0x16: {  	s3 =	sld [smem:$0x3FDB];
	s0 =	simm.s32 @p2 $0x1  }
0x17: {  	s4 =	simm.s32 $0x1BF5;
	[smem:$0x3FB1] =	sst s0  }
0x18: {  	s0 =	sld [smem:$0x3F94];
	_ =	swait.ge [sflag:s4], $0x0  }
0x19: {  	s7 =	sld [smem:$0x3F95]  }
0x1a: {  	s8 =	sadd.s32 $0xFFFFE003, lr  }
0x1b: {  	s9 =	sadd.s32 $0xFFFFFEF7, lr;
	s5 =	simm.s32 $0xFFFFFFFF;
	p2 =	slt.u32 s8, $0xFFFFF086  }
0x1c: {  	p1 =	slt.u32 s9, $0xF7A;
	s5 =	simm.s32 @!p2 $0x0  }
0x1d: {  	s5 =	simm.s32 @p1 $0x1;
	p0 =	seq.s32 s7, s2  }
0x1e: {  	s7 =	smul.u32 @!p0 $0xF7A, s2;
	p2 =	seq.s32 @!p0 s5, $0x0  }
0x1f: {  	s9 =	smul.u32 $0xF7A, s1;
	s8 =	simm.s32 @!p0 $0x1BF5;
	p2 =	por !p2, p0  }
0x20: {  	[sflag:s8] =	ssyncset.s32 @!p0 $0xFFFFF086;
	s6 =	sadd.s32 @!p0 s3, s7;
	s7 =	simm.s32 @!p0 $0x108  }
0x21: {  	s3 =	sadd.s32 s3, s9;
	s6 =	sadd.s32 @!p0 $0x88, s6;
	s7 =	simm.s32 @p2 $0x1082  }
0x22: {  	[simem:s7], [sflag:s8] =	dma.local @!p0 [hbm:s6], $0xF7A  }
0x23: {  	s9 =	sor.u32 $0xD0000000, s2;
	s6 =	simm.s32 $0x108;
	_ =	swait.ge @!p0 [sflag:s8], $0x0  }
0x24: {  	s3 =	sadd.s32 $0x88, s3;
	s6 =	simm.s32 @!p1 $0x1082;
	[sflag:s4] =	ssyncset.s32 $0xFFFFF086  }
0x25: {  	[simem:s6], [sflag:s4] =	dma.local [hbm:s3], $0xF7A  }
0x26: {  	[smem:$0x3F95] =	sst s1;
	(tag) =	ssettag s2;
	_ =	strace s9  }
0x27: {  	s1 =	sld [smem:$0x3FA5]  }
0x28: {  	s2 =	sld [smem:$0x3FA6]  }
0x29: {  	s4 =	sld [smem:$0x3FA8]  }
0x2a: {  	p0 =	seq.s32 s5, $0x0;
	s5 =	sld [smem:$0x3FA9]  }
0x2b: {  	s6 =	sld [smem:$0x3FAA]  }
0x2c: {  	s7 =	sld [smem:$0x3FAB]  }
0x2d: {  	s3 =	simm.s32 $0x108;
	s8 =	sld [smem:$0x3FAC]  }
0x2e: {  	s3 =	simm.s32 @!p0 $0x1082;
	s9 =	sld [smem:$0x3FAD]  }
0x2f: {  	lr =	sadd.s32 s0, s3;
	s0 =	sld [smem:$0x3FA4]  }
0x30: {  	s3 =	sld [smem:$0x3FA7]  }
0x31: {  	[smem:$0x3FB0] =	sst s10  }
0x32: {  	s10 =	sld [smem:$0x3FAE];
	_ =	sdelay $0x3  }
0x33: {  	p0 =	seq.s32 s10, $0x1;
	s10 =	sld [smem:$0x3FB0];
	_ =	sdelay $0x3  }
0x34: {  	[smem:$0x3FB0] =	sst s10  }
0x35: {  	s10 =	sld [smem:$0x3FAF];
	_ =	sdelay $0x3  }
0x36: {  	p1 =	seq.s32 s10, $0x1;
	s10 =	sld [smem:$0x3FB0];
	_ =	sdelay $0x3  }
0x37: {  	[smem:$0x3FB0] =	sst s10  }
0x38: {  	s10 =	sld [smem:$0x3FB1]  }
0x39: {  	_ = 	snop;
	(pc) =	sbr.ind lr, $3  }
0x3a: {  	_ = 	snop  }
0x3b: {  	_ = 	snop  }
0x3c: {  	p2 =	seq.s32 s10, $0x1;
	s10 =	sld [smem:$0x3FB0]  }
0x3d: {  	_ =	shalt  }
0x3e: {  	_ =	shalt  }
0x3f: {  	_ =	shalt  }
0x40: {  	_ =	shalt  }
0x41: {  	_ =	shalt  }
0x42: {  	_ =	shalt  }
0x43: {  	_ =	shalt  }
0x44: {  	_ =	shalt  }
0x45: {  	_ =	shalt  }
0x46: {  	_ =	shalt  }
0x47: {  	_ =	shalt  }
0x48: {  	_ =	shalt  }
0x49: {  	_ =	shalt  }
0x4a: {  	_ =	shalt  }
0x4b: {  	_ =	shalt  }
0x4c: {  	_ =	shalt  }
0x4d: {  	_ =	shalt  }
0x4e: {  	_ =	shalt  }
0x4f: {  	_ =	shalt  }
0x50: {  	_ =	shalt  }
0x51: {  	_ =	shalt  }
0x52: {  	_ =	shalt  }
0x53: {  	_ =	shalt  }
0x54: {  	_ =	shalt  }
0x55: {  	_ =	shalt  }
0x56: {  	_ =	shalt  }
0x57: {  	_ =	shalt  }
0x58: {  	_ =	shalt  }
0x59: {  	_ =	shalt  }
0x5a: {  	_ =	shalt  }
0x5b: {  	_ =	shalt  }
0x5c: {  	_ =	shalt  }
0x5d: {  	_ =	shalt  }
0x5e: {  	_ =	shalt  }
0x5f: {  	_ =	shalt  }
0x60: {  	_ =	shalt  }
0x61: {  	_ =	shalt  }
0x62: {  	_ =	shalt  }
0x63: {  	_ =	shalt  }
0x64: {  	_ =	shalt  }
0x65: {  	_ =	shalt  }
0x66: {  	_ =	shalt  }
0x67: {  	_ =	shalt  }
0x68: {  	_ =	shalt  }
0x69: {  	_ =	shalt  }
0x6a: {  	_ =	shalt  }
0x6b: {  	_ =	shalt  }
0x6c: {  	_ =	shalt  }
0x6d: {  	_ =	shalt  }
0x6e: {  	_ =	shalt  }
0x6f: {  	_ =	shalt  }
0x70: {  	_ =	shalt  }
0x71: {  	_ =	shalt  }
0x72: {  	_ =	shalt  }
0x73: {  	_ =	shalt  }
0x74: {  	_ =	shalt  }
0x75: {  	_ =	shalt  }
0x76: {  	_ =	shalt  }
0x77: {  	_ =	shalt  }
0x78: {  	_ =	shalt  }
0x79: {  	_ =	shalt  }
0x7a: {  	_ =	shalt  }
0x7b: {  	_ =	shalt  }
0x7c: {  	_ =	shalt  }
0x7d: {  	_ =	shalt  }
0x7e: {  	_ =	shalt  }
0x7f: {  	_ =	shalt  }
0x80: {  	_ =	shalt  }
0x81: {  	_ =	shalt  }
0x82: {  	_ =	shalt  }
0x83: {  	_ =	shalt  }
0x84: {  	_ =	shalt  }
0x85: {  	_ =	shalt  }
0x86: {  	_ =	shalt  }
0x87: {  	_ =	shalt  }
.Lfunc_end0:
.L_simem_size_0:
called_computation_lowered:
.L_overlay_start_0:
0x88: {  	s2 =	sld [smem:$0x3FD9]  }
0x89: {  	s3 =	sld [smem:$0x3FFE];
	_ =	sdelay $0x1  }
0x8a: {  	s1 =	srdreg.scid  }
0x8b: {  	s0 =	sand.u32 $0x1, s1  }
0x8c: {  	s14 =	sshll.u32 s0, $0xA;
	s2 =	sadd.s32 s3, s2  }
0x8d: {  	s2 =	sadd.s32 s2, s14  }
0x8e: {  	[smem:$0x3FBC] =	sst s2  }
0x8f: {  	_ = 	snop  }
0x90: {  	s2 =	sld [smem:$0x3FD0];
	_ =	sdelay $0x2  }
0x91: {  	s15 =	simm.s32 $0xA;
	s4 =	simm.s32 $0x10  }
0x92: {  	[smem:s4], [sflag:s15] =	dma.local [hbm:s2], $0x1  }
0x93: {  	_ =	swait.eq [sflag:s15], $0x1  }
0x94: {  	[sflag:s15] =	ssyncset.done $0x0  }
0x95: {  	[sflag:s15] =	ssyncadd.s32 $0xFFFFFFFF  }
0x96: {  	s16 =	sld [smem:$0x11];
	(tm) =	ssettm $0x1  }
0x97: {  	s17 =	sld [smem:$0x3FFB];
	_ =	sdelay $0x3  }
0x98: {  	_ =	strace s17  }
0x99: {  	s3 =	sld [smem:$0x3FFC];
	_ =	sdelay $0x3  }
0x9a: {  	_ =	strace s3  }
0x9b: {  	s3 =	sld [smem:$0x3FFD];
	_ =	sdelay $0x3  }
0x9c: {  	_ =	strace s3  }
0x9d: {  	_ =	strace $0x8FFFFFFF  }
0x9e: {  	s18 =	sld [smem:$0x3FDB];
	_ =	sdelay $0x1  }
0x9f: {  	s19 =	simm.s32 $_scs_section_size  }
0xa0: {  	s5 =	simm.s32 $_size__tile_overlayer_lowered;
	s6 =	simm.s32 $_tile_overlayer_lowered  }
0xa1: {  	s22 =	simm.s32 $0x1BFF;
	s21 =	sshll.u32 s6, $0x1;
	s3 =	sadd.s32 s19, s18  }
0xa2: {  	s7 =	simm.s32 $0x0;
	s20 =	sshll.u32 s5, $0x1;
	s5 =	sadd.s32 s21, s3  }
0xa3: {  	[timem:s7], [sflag:s22] =	dma.local [hbm:s5], s20  }
0xa4: {  	_ =	swait.ge [sflag:s22], s20  }
0xa5: {  	s4 =	ssub.s32 $0x0, s20;
	[sflag:s22] =	ssyncset.done $0x0  }
0xa6: {  	[sflag:s22] =	ssyncadd.s32 s4;
	_ =	sdelay $0x1  }
0xa7: {  	s23 =	simm.s32 $0x1B8B  }
0xa8: {  	_ =	swait.ge [sflag:s23], $0x1  }
0xa9: {  	[sflag:s23] =	ssyncset.done $0x0  }
0xaa: {  	s25 =	simm.s32 $0x1B8E;
	s24 =	sld [smem:$0x3FFE];
	[sflag:s23] =	ssyncadd.s32 $0xFFFFFFFF  }
0xab: {  	s26 =	simm.s32 $execute0_lowered;
	[smem:$0x3FD2] =	sst s25  }
0xac: {  	s5 =	sshll.u32 s26, $0x1;
	_ =	strace $0x80000046;
	[dreg:$0x1] =	wrdreg $0xFFFFFFFF  }
0xad: {  	s28 =	simm.s32 $_size_execute0_lowered;
	s3 =	sadd.s32 s3, s5;
	[dreg:$0x0] =	wrdreg $0x0  }
0xae: {  	s5 =	sshll.u32 s28, $0x1;
	[dreg:$0x2] =	wrdreg s3  }
0xaf: {  	[dreg:$0x3] =	wrdreg s5  }
0xb0: {  	[dreg:$0x4] =	wrdreg $0xC0  }
0xb1: {  	_ =	task [dreg:s7], $0x5FFFF  }
0xb2: {  	[dreg:$0x1] =	wrdreg $0xFFFFFFFF  }
0xb3: {  	[dreg:$0x0] =	wrdreg $0x60  }
0xb4: {  	[dreg:$0x2] =	wrdreg s24  }
0xb5: {  	[dreg:$0x3] =	wrdreg s16  }
0xb6: {  	[dreg:$0x4] =	wrdreg $0xE4000  }
0xb7: {  	[dreg:$0x5] =	wrdreg $0x9  }
0xb8: {  	_ =	task.clear_ibuf [dreg:s7], $0x6FFFF;
	_ =	strace $0x90000046  }
0xb9: {  	s29 =	simm.s32 $0x9;
	_ =	strace $0x80000048  }
0xba: {  	_ =	swait.ge [sflag:s29], $0x1  }
0xbb: {  	[sflag:s29] =	ssyncadd.s32 $0xFFFFFFFF  }
0xbc: {  	_ =	strace $0x90000048  }
0xbd: {  	_ =	sfence  }
0xbe: {  	s30 =	sld [smem:$0x0];
	_ =	sdelay $0x2  }
0xbf: {  	s31 =	sshll.u32 s1, $0xD;
	s1 =	sshrl.u32 s1, $0x2  }
0xc0: {  	s3 =	sand.u32 $0x4000, s31;
	s1 =	sadd.s32 s1, s30  }
0xc1: {  	s0 =	sor.u32 s3, s0;
	s1 =	sshll.u32 s1, $0x11  }
0xc2: {  	s0 =	sor.u32 s1, s0  }
0xc3: {  	s0 =	sadd.s32 $0x8F2B, s0  }
0xc4: {  	[sflag:s0] =	ssyncadd.remote.s32 $0x1  }
0xc5: {  	_ =	sfence.sel $0xFFFF  }
0xc6: {  	[dreg:$0x0] =	wrdreg $0xFFFFFFFF;
	(pc) =	sbr.abs _section_cstart, $3  }
0xc7: {  	[dreg:$0x1] =	wrdreg $0xFFFFFFFF  }
0xc8: {  	_ =	task.clear_ibuf [dreg:s7], $0x2FFFF;
	_ =	strace $0x9FFFFFFF  }
0xc9: {  	(tm) =	ssettm $0x7FFFFFFF  }
tec
execute0_lowered:
.L_overlay_start_1:
0x0: {  	(tag) =	ssettag $0x1  }
0x1: {  	s0 =	rddreg [dreg:$0x0]  }
0x2: {  	s3 =	rddreg [dreg:$0x1]  }
0x3: {  	s2 =	srdreg.scid;
	s4 =	stileid.u32  }
0x4: {  	s1 =	rddreg [dreg:$0x2];
	s16 =	simm.s32 $0x0;
	s29 =	simm.s32 $0xA400  }
0x5: {  	s31 =	simm.s32 $0xB400;
	s30 =	simm.s32 $0xD400;
	s28 =	simm.s32 $0x6  }
0x6: {  	s7 =	sand.u32 $0x1, s2;
	s5 =	sshll.u32 s4, $0x1;
	[smem:$0x7FF] =	sst s16  }
0x7: {  	s18 =	sadd.s32 $0x1400, s0;
	s11 =	smul.u32 $0x32000, s4;
	s12 =	sadd.s32 $0xB800, s0  }
0x8: {  	s20 =	smul.u32 $0x190000, s4;
	s13 =	sadd.s32 $0x11C00, s0;
	p0 =	sne.s32 s4, $0x0  }
0x9: {  	s4 =	simm.s32 $0x0;
	s5 =	sor.u32 s7, s5;
	s17 =	ssub.s32 $0x2, s7  }
0xa: {  	_ =	strace $0x80000047;
	[dreg:$0x4] =	wrdreg s18;
	s14 =	smul.u32 $0xC8000, s7  }
0xb: {  	s15 =	smul.u32 $0x19000, s7;
	s7 =	sadd.s32 $0x17700, s1;
	s2 =	sshrl.u32 @!p0 s1, $0x3  }
0xc: {  	s8 =	smul.u32 $0x320, s5;
	s6 =	sshrl.u32 s17, $0x1;
	s5 =	sadd.s32 $0x7D00, s1  }
0xd: {  	s11 =	sadd.s32 s11, s3;
	[dreg:$0x7] =	wrdreg s2;
	s10 =	ssub.s32 s17, s6  }
0xe: {  	s6 =	sadd.s32 $0xFA00, s1;
	s14 =	sadd.s32 s14, s20;
	s22 =	sadd.s32 s15, s11  }
0xf: {  	s15 =	simm.s32 $0x10;
	s9 =	sadd.s32 s8, s0;
	s0 =	sadd.s32 $0x18000, s0  }
0x10: {  	s21 =	smax.u32 s10, $0x1;
	s23 =	sor.u32 $0x4000, s14;
	s24 =	sshrl.u32 s14, $0x3  }
0x11: {  	s25 =	sadd.s32 s8, s12;
	s26 =	sadd.s32 s8, s13;
	s19 =	sadd.s32 $0x5400, s9  }
0x12: {  	[dreg:$0x6] =	wrdreg s21;
	s9 =	sadd.s32 $0x800, s22;
	s10 =	sshrl.u32 s23, $0x3  }
.Ltmp0:
0x13: {  	s11 =	sadd.s32 s24, s3;
	[dreg:$0x8] =	wrdreg s25;
	(pc) =	sbr.rel .LBB2_1-.Ltmp0, $4  }
0x14: {  	[dreg:$0x9] =	wrdreg s26;
	s0 =	sadd.s32 s8, s0;
	s21 =	simm.s32 $0x3  }
0x15: {  	s23 =	simm.s32 $0x80;
	s26 =	simm.s32 $0x8400;
	[dreg:$0x5] =	wrdreg s19  }
0x16: {  	s25 =	simm.s32 $0x5;
	s10 =	sadd.s32 s10, s3;
	[dreg:$0xa] =	wrdreg s0  }
0x17: {  	s19 =	simm.s32 $0x1;
	s0 =	simm.s32 $0x20;
	s3 =	simm.s32 $0x8  }
.LBB2_4:
0x18: {  	s2 =	simm.s32 $0x9  }
0x19: {  	_ =	swait.ge [sflag:s2], $0x1000  }
0x1a: {  	[sflag:s2] =	ssyncset.done $0x0  }
0x1b: {  	s14 =	simm.s32 $0xA;
	[sflag:s2] =	ssyncadd.s32 $0xFFFFF000  }
0x1c: {  	_ =	swait.ge [sflag:s14], $0x1000  }
0x1d: {  	[sflag:s14] =	ssyncset.done $0x0  }
0x1e: {  	s16 =	simm.s32 $0xB;
	[sflag:s14] =	ssyncadd.s32 $0xFFFFF000  }
0x1f: {  	_ =	swait.ge [sflag:s16], $0x1000  }
0x20: {  	[sflag:s16] =	ssyncset.done $0x0  }
0x21: {  	s17 =	simm.s32 $0xC;
	[sflag:s16] =	ssyncadd.s32 $0xFFFFF000  }
0x22: {  	_ =	swait.ge [sflag:s17], $0x1000  }
0x23: {  	[sflag:s17] =	ssyncset.done $0x0  }
0x24: {  	s18 =	simm.s32 $0xD;
	[sflag:s17] =	ssyncadd.s32 $0xFFFFF000  }
0x25: {  	_ =	swait.ge [sflag:s18], $0x1000  }
0x26: {  	[sflag:s18] =	ssyncset.done $0x0  }
0x27: {  	s20 =	simm.s32 $0xE;
	[sflag:s18] =	ssyncadd.s32 $0xFFFFF000  }
0x28: {  	_ =	swait.ge [sflag:s20], $0x1000  }
0x29: {  	[sflag:s20] =	ssyncset.done $0x0  }
0x2a: {  	s22 =	simm.s32 $0xF;
	[sflag:s20] =	ssyncadd.s32 $0xFFFFF000  }
0x2b: {  	_ =	swait.ge [sflag:s22], $0x1000  }
0x2c: {  	[sflag:s22] =	ssyncset.done $0x0  }
0x2d: {  	[sflag:s22] =	ssyncadd.s32 $0xFFFFF000  }
0x2e: {  	_ =	swait.ge [sflag:s15], $0x1000  }
0x2f: {  	s4 =	rddreg [dreg:$0xb]  }
0x30: {  	s24 =	rddreg [dreg:$0x6];
	s4 =	sadd.s32 $0x1, s4  }
0x31: {  	p1 =	sne.s32 s4, s24  }
.Ltmp1:
0x32: {  	_ = 	snop;
	(pc) =	sbr.rel @!p1 .LBB2_5-.Ltmp1, $3  }
0x33: {  	_ =	sdelay $0x1  }
0x34: {  	[sflag:s15] =	ssyncset.done $0x0  }
0x35: {  	[sflag:s15] =	ssyncadd.s32 $0xFFFFF000  }
.LBB2_1:
0x36: {  	[dreg:$0xb] =	wrdreg s4  }
0x37: {  	s2 =	rddreg [dreg:$0x4]  }
0x38: {  	s4 =	simm.s32 @!p0 $0x1C11;
	s8 =	rddreg [dreg:$0x7]  }
0x39: {  	[spmem:s8], [sflag:s4] =	dma.local @!p0 [hbm:s2], $0x3E80  }
0x3a: {  	s4 =	simm.s32 @!p0 $0x11  }
0x3b: {  	_ =	swait.ge @!p0 [sflag:s4], $0x3E80  }
0x3c: {  	[sflag:s4] =	ssyncset.done @!p0 $0x0  }
0x3d: {  	s8 =	simm.s32 $0x0;
	s14 =	rddreg [dreg:$0x5];
	[sflag:s4] =	ssyncadd.s32 @!p0 $0xFFFFC180  }
0x3e: {  	[tilespmem:s8], [sflag:$0x1] =	stream.linear.gather [hbm4b:s14+s8], $0x1900, $0x38;
	[tilespmem:$0x10340] =	vst v63  }
0x3f: {  	s17 =	simm.s32 $0x1900;
	s16 =	rddreg [dreg:$0x8]  }
0x40: {  	[tilespmem:s17], [sflag:$0x2] =	stream.linear.gather [hbm4b:s16+s8], $0x1900, $0x38;
	[tilespmem:$0x10340] =	vst v63  }
0x41: {  	s12 =	simm.s32 $0x3200;
	s18 =	rddreg [dreg:$0x9]  }
0x42: {  	[tilespmem:s12], [sflag:$0x3] =	stream.linear.gather [hbm4b:s18+s8], $0x1900, $0x38;
	[tilespmem:$0x10340] =	vst v63  }
0x43: {  	s13 =	simm.s32 $0x4B00;
	s20 =	rddreg [dreg:$0xa]  }
0x44: {  	[tilespmem:s13], [sflag:$0x4] =	stream.linear.gather [hbm4b:s20+s8], $0x1900, $0x38;
	[tilespmem:$0x10340] =	vst v63  }
0x45: {  	[bflag:$0x0] =	sbarrier.arrive $0xFFFF  }
0x46: {  	_ =	swait.ge [sflag:s19], $0x1900  }
0x47: {  	[sflag:s19] =	ssyncset.done $0x0  }
0x48: {  	s22 =	simm.s32 $0x2;
	[sflag:s19] =	ssyncadd.s32 $0xFFFFE700  }
0x49: {  	_ =	swait.ge [sflag:s22], $0x1900  }
0x4a: {  	[sflag:s22] =	ssyncset.done $0x0  }
0x4b: {  	[sflag:s22] =	ssyncadd.s32 $0xFFFFE700  }
0x4c: {  	_ =	swait.ge [sflag:s21], $0x1900  }
0x4d: {  	[sflag:s21] =	ssyncset.done $0x0  }
0x4e: {  	s24 =	simm.s32 $0x4;
	[sflag:s21] =	ssyncadd.s32 $0xFFFFE700  }
0x4f: {  	_ =	swait.ge [sflag:s24], $0x1900  }
0x50: {  	[sflag:s24] =	ssyncset.done $0x0  }
0x51: {  	s14 =	simm.s32 $0x6400;
	[sflag:s24] =	ssyncadd.s32 $0xFFFFE700  }
0x52: {  	[tilespmem:s14], [sflag:$0x1] =	stream.indirect.gather [spmem:s1], $0x20, s8, s23, $0xb8;
	[tilespmem:$0x10340] =	vst v63  }
0x53: {  	s16 =	simm.s32 $0x7400  }
0x54: {  	[tilespmem:s16], [sflag:$0x2] =	stream.indirect.gather [spmem:s5], $0x20, s17, s23, $0xb8;
	[tilespmem:$0x10340] =	vst v63  }
0x55: {  	_ = 	snop  }
0x56: {  	[tilespmem:s26], [sflag:$0x3] =	stream.indirect.gather [spmem:s6], $0x20, s12, s23, $0xb8;
	[tilespmem:$0x10340] =	vst v63  }
0x57: {  	s17 =	simm.s32 $0x9400  }
0x58: {  	[tilespmem:s17], [sflag:$0x4] =	stream.indirect.gather [spmem:s7], $0x20, s13, s23, $0xb8;
	[tilespmem:$0x10340] =	vst v63  }
0x59: {  	_ = 	snop  }
0x5a: {  	[tilespmem:s29], [sflag:$0x5] =	stream.indirect.gather [spmem:s1], $0x20, s23, s23, $0xb8;
	[tilespmem:$0x10340] =	vst v63  }
0x5b: {  	s18 =	simm.s32 $0x1980  }
0x5c: {  	[tilespmem:s31], [sflag:$0x6] =	stream.indirect.gather [spmem:s5], $0x20, s18, s23, $0xb8;
	[tilespmem:$0x10340] =	vst v63  }
0x5d: {  	s20 =	simm.s32 $0x3280;
	s22 =	simm.s32 $0xC400  }
0x5e: {  	[tilespmem:s22], [sflag:$0x7] =	stream.indirect.gather [spmem:s6], $0x20, s20, s23, $0xb8;
	[tilespmem:$0x10340] =	vst v63  }
0x5f: {  	s24 =	simm.s32 $0x4B80;
	s20 =	simm.s32 $0x0;
	s22 =	simm.s32 $0x0  }
0x60: {  	[tilespmem:s30], [sflag:$0x8] =	stream.indirect.gather [spmem:s7], $0x20, s24, s23, $0xb8;
	[tilespmem:$0x10340] =	vst v63  }
.LBB2_2:
0x61: {  	_ =	swait.ge [sflag:s19], $0x1000  }
0x62: {  	s13 =	sadd.s32 s22, s11;
	p1 =	seq.s32 s22, $0x18000;
	[sflag:s19] =	ssyncset.done $0x0  }
0x63: {  	s2 =	simm.s32 $0x6400;
	s4 =	simm.s32 @p1 $0x2;
	[sflag:s19] =	ssyncadd.s32 $0xFFFFF000  }
0x64: {  	[hbm4b:s13+s0] =	stream.strided.scatter [tilespmem:s2], [sflag:$0x9], $0x1000, s23, s0, $0x38;
	[tilespmem:$0x10340] =	vst v63  }
0x65: {  	s18 =	sadd.s32 @p1 s22, s11;
	_ =	swait.ge @p1 [sflag:s4], $0x1000  }
0x66: {  	s14 =	simm.s32 @p1 $0x20;
	s12 =	simm.s32 @p1 $0x80;
	[sflag:s4] =	ssyncset.done @p1 $0x0  }
0x67: {  	s8 =	simm.s32 @p1 $0x7400;
	[sflag:s4] =	ssyncadd.s32 @p1 $0xFFFFF000;
	s4 =	sadd.s32 @p1 $0x4, s18  }
0x68: {  	[hbm4b:s4+s14] =	stream.strided.scatter @p1 [tilespmem:s8], [sflag:$0xA], $0x1000, s12, s14, $0x38;
	[tilespmem:$0x10340] =	vst v63  }
0x69: {  	s4 =	simm.s32 @!p1 $0x9  }
0x6a: {  	_ =	swait.ge @!p1 [sflag:s4], $0x1000  }
0x6b: {  	[sflag:s4] =	ssyncset.done @!p1 $0x0  }
0x6c: {  	[sflag:s4] =	ssyncadd.s32 @!p1 $0xFFFFF000;
	s4 =	sshra.s32 @!p1 s20, $0x2  }
0x6d: {  	s2 =	simm.s32 @!p1 $0x6400;
	s8 =	simm.s32 @!p1 $0x80;
	s16 =	sadd.s32 @!p1 $0x100, s4  }
0x6e: {  	[tilespmem:s2], [sflag:$0x1] =	stream.indirect.gather @!p1 [spmem:s1], $0x20, s16, s8, $0xb8;
	[tilespmem:$0x10340] =	vst v63  }
0x6f: {  	s2 =	simm.s32 @!p1 $0x2  }
0x70: {  	_ =	swait.ge @!p1 [sflag:s2], $0x1000  }
0x71: {  	[sflag:s2] =	ssyncset.done @!p1 $0x0  }
0x72: {  	[sflag:s2] =	ssyncadd.s32 @!p1 $0xFFFFF000;
	s2 =	sadd.s32 @!p1 s22, s11  }
0x73: {  	s24 =	simm.s32 @!p1 $0x7400;
	s16 =	simm.s32 @!p1 $0x20;
	s17 =	sadd.s32 @!p1 $0x4, s2  }
0x74: {  	[hbm4b:s17+s16] =	stream.strided.scatter @!p1 [tilespmem:s24], [sflag:$0xA], $0x1000, s8, s16, $0x38;
	[tilespmem:$0x10340] =	vst v63  }
0x75: {  	s17 =	simm.s32 @!p1 $0xA  }
0x76: {  	_ =	swait.ge @!p1 [sflag:s17], $0x1000  }
0x77: {  	[sflag:s17] =	ssyncset.done @!p1 $0x0  }
0x78: {  	[sflag:s17] =	ssyncadd.s32 @!p1 $0xFFFFF000;
	s17 =	sadd.s32 @!p1 $0x1A00, s4  }
0x79: {  	[tilespmem:s24], [sflag:$0x2] =	stream.indirect.gather @!p1 [spmem:s5], $0x20, s17, s8, $0xb8;
	[tilespmem:$0x10340] =	vst v63  }
0x7a: {  	_ =	swait.ge [sflag:s21], $0x1000  }
0x7b: {  	[sflag:s21] =	ssyncset.done $0x0  }
0x7c: {  	s13 =	sadd.s32 $0x8, s13;
	[sflag:s21] =	ssyncadd.s32 $0xFFFFF000  }
0x7d: {  	[hbm4b:s13+s0] =	stream.strided.scatter [tilespmem:s26], [sflag:$0xB], $0x1000, s23, s0, $0x38;
	[tilespmem:$0x10340] =	vst v63  }
0x7e: {  	s13 =	simm.s32 @p1 $0x4  }
0x7f: {  	_ =	swait.ge @p1 [sflag:s13], $0x1000  }
0x80: {  	[sflag:s13] =	ssyncset.done @p1 $0x0  }
0x81: {  	s17 =	simm.s32 @p1 $0x9400;
	[sflag:s13] =	ssyncadd.s32 @p1 $0xFFFFF000;
	s13 =	sadd.s32 @p1 $0xC, s18  }
0x82: {  	[hbm4b:s13+s14] =	stream.strided.scatter @p1 [tilespmem:s17], [sflag:$0xC], $0x1000, s12, s14, $0x38;
	[tilespmem:$0x10340] =	vst v63  }
0x83: {  	s13 =	simm.s32 @!p1 $0xB  }
0x84: {  	_ =	swait.ge @!p1 [sflag:s13], $0x1000  }
0x85: {  	[sflag:s13] =	ssyncset.done @!p1 $0x0  }
0x86: {  	s17 =	simm.s32 @!p1 $0x8400;
	[sflag:s13] =	ssyncadd.s32 @!p1 $0xFFFFF000;
	s13 =	sadd.s32 @!p1 $0x3300, s4  }
0x87: {  	[tilespmem:s17], [sflag:$0x3] =	stream.indirect.gather @!p1 [spmem:s6], $0x20, s13, s8, $0xb8;
	[tilespmem:$0x10340] =	vst v63  }
0x88: {  	s13 =	simm.s32 @!p1 $0x4  }
0x89: {  	_ =	swait.ge @!p1 [sflag:s13], $0x1000  }
0x8a: {  	[sflag:s13] =	ssyncset.done @!p1 $0x0  }
0x8b: {  	s2 =	sadd.s32 @!p1 $0xC, s2;
	[sflag:s13] =	ssyncadd.s32 @!p1 $0xFFFFF000;
	s13 =	simm.s32 @!p1 $0x9400  }
0x8c: {  	[hbm4b:s2+s16] =	stream.strided.scatter @!p1 [tilespmem:s13], [sflag:$0xC], $0x1000, s8, s16, $0x38;
	[tilespmem:$0x10340] =	vst v63  }
0x8d: {  	s2 =	simm.s32 @!p1 $0xC  }
0x8e: {  	_ =	swait.ge @!p1 [sflag:s2], $0x1000  }
0x8f: {  	[sflag:s2] =	ssyncset.done @!p1 $0x0  }
0x90: {  	[sflag:s2] =	ssyncadd.s32 @!p1 $0xFFFFF000;
	s2 =	sadd.s32 @!p1 $0x4C00, s4  }
0x91: {  	[tilespmem:s13], [sflag:$0x4] =	stream.indirect.gather @!p1 [spmem:s7], $0x20, s2, s8, $0xb8;
	[tilespmem:$0x10340] =	vst v63  }
0x92: {  	_ =	swait.ge [sflag:s25], $0x1000  }
0x93: {  	[sflag:s25] =	ssyncset.done $0x0  }
0x94: {  	s17 =	sadd.s32 s22, s9;
	s2 =	simm.s32 @!p1 $0xD;
	[sflag:s25] =	ssyncadd.s32 $0xFFFFF000  }
0x95: {  	[hbm4b:s17+s0] =	stream.strided.scatter [tilespmem:s29], [sflag:$0xD], $0x1000, s23, s0, $0x38;
	[tilespmem:$0x10340] =	vst v63  }
0x96: {  	_ =	swait.ge @!p1 [sflag:s2], $0x1000  }
0x97: {  	[sflag:s2] =	ssyncset.done @!p1 $0x0  }
0x98: {  	s13 =	simm.s32 @!p1 $0xA400;
	[sflag:s2] =	ssyncadd.s32 @!p1 $0xFFFFF000;
	s2 =	sadd.s32 @!p1 $0x180, s4  }
0x99: {  	[tilespmem:s13], [sflag:$0x5] =	stream.indirect.gather @!p1 [spmem:s1], $0x20, s2, s8, $0xb8;
	[tilespmem:$0x10340] =	vst v63  }
0x9a: {  	_ =	swait.ge [sflag:s28], $0x1000  }
0x9b: {  	s18 =	sadd.s32 s22, s10;
	[sflag:s28] =	ssyncset.done $0x0  }
0x9c: {  	s24 =	sadd.s32 $0x4, s18;
	s13 =	simm.s32 @p1 $0x7;
	[sflag:s28] =	ssyncadd.s32 $0xFFFFF000  }
0x9d: {  	[hbm4b:s24+s0] =	stream.strided.scatter [tilespmem:s31], [sflag:$0xE], $0x1000, s23, s0, $0x38;
	[tilespmem:$0x10340] =	vst v63  }
0x9e: {  	_ =	swait.ge @p1 [sflag:s13], $0x1000  }
0x9f: {  	s17 =	sadd.s32 @p1 s22, s10;
	[sflag:s13] =	ssyncset.done @p1 $0x0  }
0xa0: {  	[sflag:s13] =	ssyncadd.s32 @p1 $0xFFFFF000;
	s13 =	sadd.s32 @p1 $0x8, s17;
	s17 =	simm.s32 @p1 $0xC400  }
0xa1: {  	[hbm4b:s13+s14] =	stream.strided.scatter @p1 [tilespmem:s17], [sflag:$0xF], $0x1000, s12, s14, $0x38;
	[tilespmem:$0x10340] =	vst v63  }
0xa2: {  	s12 =	simm.s32 @!p1 $0xE  }
0xa3: {  	_ =	swait.ge @!p1 [sflag:s12], $0x1000  }
0xa4: {  	[sflag:s12] =	ssyncset.done @!p1 $0x0  }
0xa5: {  	s13 =	simm.s32 @!p1 $0xB400;
	[sflag:s12] =	ssyncadd.s32 @!p1 $0xFFFFF000;
	s12 =	sadd.s32 @!p1 $0x1A80, s4  }
0xa6: {  	[tilespmem:s13], [sflag:$0x6] =	stream.indirect.gather @!p1 [spmem:s5], $0x20, s12, s8, $0xb8;
	[tilespmem:$0x10340] =	vst v63  }
0xa7: {  	s12 =	simm.s32 @!p1 $0x7  }
0xa8: {  	_ =	swait.ge @!p1 [sflag:s12], $0x1000  }
0xa9: {  	s13 =	sadd.s32 @!p1 s22, s10;
	[sflag:s12] =	ssyncset.done @!p1 $0x0  }
0xaa: {  	[sflag:s12] =	ssyncadd.s32 @!p1 $0xFFFFF000;
	s12 =	sadd.s32 @!p1 $0x8, s13;
	s13 =	simm.s32 @!p1 $0xC400  }
0xab: {  	[hbm4b:s12+s16] =	stream.strided.scatter @!p1 [tilespmem:s13], [sflag:$0xF], $0x1000, s8, s16, $0x38;
	[tilespmem:$0x10340] =	vst v63  }
0xac: {  	s12 =	simm.s32 @!p1 $0xF  }
0xad: {  	_ =	swait.ge @!p1 [sflag:s12], $0x1000  }
0xae: {  	[sflag:s12] =	ssyncset.done @!p1 $0x0  }
0xaf: {  	s4 =	sadd.s32 @!p1 $0x3380, s4;
	[sflag:s12] =	ssyncadd.s32 @!p1 $0xFFFFF000  }
0xb0: {  	[tilespmem:s13], [sflag:$0x7] =	stream.indirect.gather @!p1 [spmem:s6], $0x20, s4, s8, $0xb8;
	[tilespmem:$0x10340] =	vst v63  }
.Ltmp2:
0xb1: {  	_ = 	snop;
	(pc) =	sbr.rel @p1 .LBB2_4-.Ltmp2, $4  }
0xb2: {  	_ =	swait.ge [sflag:s3], $0x1000  }
0xb3: {  	[sflag:s3] =	ssyncset.done $0x0  }
0xb4: {  	s2 =	sadd.s32 $0xC, s18;
	[sflag:s3] =	ssyncadd.s32 $0xFFFFF000  }
0xb5: {  	[hbm4b:s2+s0] =	stream.strided.scatter [tilespmem:s30], [sflag:$0x10], $0x1000, s23, s0, $0x38;
	[tilespmem:$0x10340] =	vst v63  }
.Ltmp3:
0xb6: {  	(pc) =	sbr.rel .LBB2_2-.Ltmp3, $4  }
0xb7: {  	_ =	swait.ge [sflag:s15], $0x1000  }
0xb8: {  	s2 =	sshra.s32 s20, $0x2;
	s22 =	sadd.s32 $0x1000, s22;
	[sflag:s15] =	ssyncset.done $0x0  }
0xb9: {  	s20 =	sadd.s32 $0x400, s20;
	s2 =	sadd.s32 $0x4C80, s2;
	[sflag:s15] =	ssyncadd.s32 $0xFFFFF000  }
0xba: {  	[tilespmem:s30], [sflag:$0x8] =	stream.indirect.gather [spmem:s7], $0x20, s2, s23, $0xb8;
	[tilespmem:$0x10340] =	vst v63  }
.LBB2_5:
0xbb: {  	_ =	sfence.sel $0x180000  }
0xbc: {  	[bflag:$0x0] =	sbarrier.arrive $0xFFFF  }
0xbd: {  	_ =	strace $0x90000047  }
0xbe: {  	[bflag:$0x2] =	sbarrier.arrive $0xFFFF  }
0xbf: {  	s0 =	rddreg [dreg:$0x3]  }
0xc0: {  	s0 =	sadd.s32 @!p0 $0x100000, s0  }
0xc1: {  	[sflag:s0] =	ssyncadd.tile.s32 @!p0 $0x1;
	_ =	shalt  }
.Lfunc_end2:
_tile_overlayer_lowered:
.L_overlay_start_2:
0xc2: {  	(tag) =	ssettag $0x2  }
0xc3: {  	s0 =	rddreg [dreg:$0x0];
	s2 =	stileid.u32  }
0xc4: {  	s1 =	rddreg [dreg:$0x1];
	p0 =	sne.s32 s2, $0x0  }
0xc5: {  	s3 =	rddreg [dreg:$0x2];
	[bflag:$0x3] =	sbarrier.arrive $0xFFFF;
	s2 =	simm.s32 @!p0 $0x1C11  }
0xc6: {  	[timem:s3], [sflag:s2] =	dma.local @!p0 [hbm:s0], s1  }
0xc7: {  	s0 =	simm.s32 @!p0 $0x11  }
0xc8: {  	_ =	swait.ge @!p0 [sflag:s0], s1  }
0xc9: {  	s1 =	ssub.s32 @!p0 $0x0, s1;
	[sflag:s0] =	ssyncset.done @!p0 $0x0  }
0xca: {  	[sflag:s0] =	ssyncadd.s32 @!p0 s1  }
0xcb: {  	[bflag:$0x3] =	sbarrier.arrive $0xFFFF  }
0xcc: {  	_ =	shalt  }

</sc_bundles>
